<compile_context>
chip_gen: v7x
topology: tpu7x:2x2x1
jax: 0.10.2.dev20260603
libtpu: 0.0.44.dev20260713+nightly
codegen_flags: <defaults>
</compile_context>

<pallas_src>
import functools

import jax
import jax.numpy as jnp
from jax import lax
from jax.experimental import pallas as pl
from jax.experimental.pallas import tpu as pltpu
from jax.experimental.pallas import tpu_sc as plsc

NQ = 100000
NH = 100000
NS = 16
C = 32

NQP = 102400
STEPQ = 1024
TOT_STEPS = NQP // STEPQ
NSTREAM = STEPQ // 128

_DN_T = (((0,), (0,)), ((), ()))



NH_PAD = 102400
_PREP_B = 6400
_PS = _PREP_B // 4


def _prep_body(xyzT_ref, featT_ref, w1a_ref, w1b_ref, b_ref, a_ref):
    a_rows = (
        lax.dot_general(xyzT_ref[...], w1a_ref[...], _DN_T,
                        preferred_element_type=jnp.float32)
        + lax.dot_general(featT_ref[...], w1b_ref[...], _DN_T,
                          preferred_element_type=jnp.float32)
    )
    a_ref[...] = jnp.concatenate(
        [a_rows[0:_PS], a_rows[_PS:2 * _PS],
         a_rows[2 * _PS:3 * _PS], a_rows[3 * _PS:4 * _PS]], axis=1
    ) + b_ref[...]


def _prep_call(xyzT, featT, w1a, w1b, b1t):
    grid = NH_PAD // _PREP_B
    return pl.pallas_call(
        _prep_body,
        grid=(grid,),
        in_specs=[
            pl.BlockSpec((3, _PREP_B), lambda i: (0, i)),
            pl.BlockSpec((C, _PREP_B), lambda i: (0, i)),
            pl.BlockSpec((3, C), lambda i: (0, 0)),
            pl.BlockSpec((C, C), lambda i: (0, 0)),
            pl.BlockSpec((1, 128), lambda i: (0, 0)),
        ],
        out_specs=pl.BlockSpec((_PREP_B // 4, 128), lambda i: (i, 0)),
        out_shape=jax.ShapeDtypeStruct((NH_PAD // 4, 128), jnp.float32),
    )(xyzT, featT, w1a, w1b, b1t)



@functools.cache
def _sc_gather_kernel():
    @functools.partial(
        pl.kernel,
        out_type=jax.ShapeDtypeStruct((NS * NQP, C), jnp.float32),
        mesh=plsc.VectorSubcoreMesh(
            core_axis_name="c", subcore_axis_name="s",
            num_cores=2, num_subcores=16),
        scratch_types=[
            pltpu.VMEM((NSTREAM, 128), jnp.int32),
            pltpu.VMEM((NSTREAM, 128), jnp.int32),
            pltpu.VMEM((STEPQ, C), jnp.float32),
            pltpu.VMEM((STEPQ, C), jnp.float32),
            pltpu.SemaphoreType.DMA,
            pltpu.SemaphoreType.DMA,
            pltpu.SemaphoreType.DMA,
        ],
        compiler_params=pltpu.CompilerParams(use_tc_tiling_on_sc=False),
    )
    def _sc_gather(table_hbm, idxt_hbm, out_hbm,
                   iv0, iv1, rv0, rv1, sem0, sem1, sem_w):
        core = lax.axis_index("c")
        plane = lax.axis_index("s")
        qbase = plane * NQP

        def load_idx(t, iv):
            r0 = t * NSTREAM
            pltpu.sync_copy(idxt_hbm.at[plane, pl.ds(r0, NSTREAM)], iv)

        def fire(iv, rv, sem):
            return [
                pltpu.async_copy(
                    table_hbm.at[iv.at[k]],
                    rv.at[pl.ds(k * 128, 128)],
                    sem,
                )
                for k in range(NSTREAM)
            ]

        def wb(t, rv):
            q0 = qbase + t * STEPQ
            return pltpu.async_copy(rv, out_hbm.at[pl.ds(q0, STEPQ)], sem_w)

        def pair(tt, carry):
            t0 = tt * 4 + core
            t1 = t0 + 2
            load_idx(t0, iv0)
            g0 = fire(iv0, rv0, sem0)
            load_idx(t1, iv1)
            g1 = fire(iv1, rv1, sem1)
            for cp in g0:
                cp.wait()
            w0 = wb(t0, rv0)
            for cp in g1:
                cp.wait()
            w1 = wb(t1, rv1)
            w0.wait()
            w1.wait()
            return carry

        lax.fori_loop(0, TOT_STEPS // 4, pair, 0)

    return _sc_gather



_B = 4096


def _mlp_body(g_ref, lxT_ref, lfT_ref, w1a_ref, eye_ref, bdw2_ref, b2_ref,
              out_ref):
    b4 = _B // 4
    q_rows = lax.dot_general(lxT_ref[...], w1a_ref[...], _DN_T,
                             preferred_element_type=jnp.float32)
    qid = pl.program_id(0) * _B + lax.broadcasted_iota(jnp.int32, (_B, C), 0)
    q_rows = jnp.where(qid < NQ, q_rows, 0.0)
    q4 = jnp.concatenate(
        [q_rows[0:b4], q_rows[b4:2 * b4],
         q_rows[2 * b4:3 * b4], q_rows[3 * b4:4 * b4]], axis=1)
    w2 = bdw2_ref[...]
    b2 = b2_ref[...]
    acc = None
    for j in range(NS):
        h = jnp.maximum(g_ref[j] - q4, 0.0)
        y = jnp.maximum(
            jnp.dot(h, w2, preferred_element_type=jnp.float32) + b2, 0.0)
        acc = y if acc is None else jnp.maximum(acc, y)
    m_rows = jnp.concatenate(
        [acc[:, 0:C], acc[:, C:2 * C],
         acc[:, 2 * C:3 * C], acc[:, 3 * C:4 * C]], axis=0)
    lf_rows = lax.dot_general(lfT_ref[...], eye_ref[...], _DN_T,
                              preferred_element_type=jnp.float32)
    out_ref[...] = jnp.concatenate([lf_rows, m_rows], axis=1)


def _mlp_call(g3, lxT, lfT, w1a, eye32, bdw2, b2t):
    grid = (NQ + _B - 1) // _B
    b4 = _B // 4
    return pl.pallas_call(
        _mlp_body,
        grid=(grid,),
        in_specs=[
            pl.BlockSpec((NS, b4, 128), lambda i: (0, i, 0)),
            pl.BlockSpec((3, _B), lambda i: (0, i)),
            pl.BlockSpec((C, _B), lambda i: (0, i)),
            pl.BlockSpec((3, C), lambda i: (0, 0)),
            pl.BlockSpec((C, C), lambda i: (0, 0)),
            pl.BlockSpec((128, 128), lambda i: (0, 0)),
            pl.BlockSpec((1, 128), lambda i: (0, 0)),
        ],
        out_specs=pl.BlockSpec((_B, 2 * C), lambda i: (i, 0)),
        out_shape=jax.ShapeDtypeStruct((NQ, 2 * C), jnp.float32),
    )(g3, lxT, lfT, w1a, eye32, bdw2, b2t)


def kernel(lr_xyz, hr_xyz, lr_feat, hr_feat, neigh_idx, W1, b1, W2, b2):
    w1a = W1[:3]
    w1b = W1[3:]
    eye4 = jnp.eye(4, dtype=jnp.float32)
    eye32 = jnp.eye(C, dtype=jnp.float32)
    bdw2 = jnp.kron(eye4, W2)
    b1t = jnp.tile(b1, 4)[None, :]
    b2t = jnp.tile(b2, 4)[None, :]

    a4 = _prep_call(hr_xyz.T, hr_feat.T, w1a, w1b, b1t)
    table = a4.reshape(NH_PAD, C)

    v = neigh_idx.astype(jnp.int32).T
    loc = v % _PREP_B
    vrow = (v - loc) + 4 * (loc % _PS) + loc // _PS

    idxt = jnp.pad(vrow, ((0, 0), (0, NQP - NQ)))
    idxt = idxt.reshape(NS, NQP // _B, 4, _B // 4).transpose(0, 1, 3, 2)
    idxt = idxt.reshape(NS, NQP // 128, 128)

    g = _sc_gather_kernel()(table, idxt)
    g3 = g.reshape(NS, NQP // 4, 128)

    return _mlp_call(g3, lr_xyz.T, lr_feat.T, w1a, eye32, bdw2, b2t)

# --- scband reference (transcript-rebuilt; emitter-appended) ---
"""Pipeline reference for scband-bi-gnn-53695681134823 (READ-ONLY COPY).

The authoritative reference and input builder live on the scoring server;
editing this copy changes nothing except your own understanding.
"""

import jax, jax.numpy as jnp
import numpy as np

NQ = 100000
NH = 100000
NSAMPLE = 16
C = 32

def setup_inputs(seed: int = 0) -> dict:
    key = jax.random.key(seed)
    ks = jax.random.split(key, 9)
    lr_xyz = jax.random.uniform(ks[0], (NQ, 3), dtype=jnp.float32)
    hr_xyz = jax.random.uniform(ks[1], (NH, 3), dtype=jnp.float32)
    lr_feat = jax.random.normal(ks[2], (NQ, C), dtype=jnp.float32)
    hr_feat = jax.random.normal(ks[3], (NH, C), dtype=jnp.float32)
    neigh_idx = jax.random.randint(ks[4], (NQ, NSAMPLE), 0, NH, dtype=jnp.int64)
    # Grouper7 MLP params: mlps=[[32,32]], use_xyz=True -> input channels = C + 3
    W1 = jax.random.normal(ks[5], (C + 3, C), dtype=jnp.float32) * 0.1
    b1 = jnp.zeros((C,), dtype=jnp.float32)
    W2 = jax.random.normal(ks[6], (C, C), dtype=jnp.float32) * 0.1
    b2 = jnp.zeros((C,), dtype=jnp.float32)
    return {"lr_xyz": lr_xyz, "hr_xyz": hr_xyz, "lr_feat": lr_feat,
            "hr_feat": hr_feat, "neigh_idx": neigh_idx,
            "W1": W1, "b1": b1, "W2": W2, "b2": b2}


def reference(lr_xyz, hr_xyz, lr_feat, hr_feat, neigh_idx, W1, b1, W2, b2):
    # structured_forward core: ball-query grouping (Grouper7) from high-res
    # voxel set (hr) to low-res query voxels (lr), per-neighbor MLP with
    # relative xyz (use_xyz=True), max-pool over neighbors, concat with
    # original lr features.
    grouped_xyz = jnp.take(hr_xyz, neigh_idx, axis=0) - lr_xyz[:, None, :]   # [NQ, NS, 3]
    grouped_feat = jnp.take(hr_feat, neigh_idx, axis=0)                      # [NQ, NS, C]
    feats = jnp.concatenate([grouped_xyz, grouped_feat], axis=-1)            # [NQ, NS, C+3]
    h = jax.nn.relu(jnp.matmul(feats, W1) + b1)                              # [NQ, NS, C]
    h = jax.nn.relu(jnp.matmul(h, W2) + b2)                                  # [NQ, NS, C]
    new_lr = jnp.max(h, axis=1)                                              # [NQ, C]
    out = jnp.concatenate([lr_feat, new_lr], axis=-1)                        # [NQ, 2C]
    return out

if __name__ == "__main__":
    import jax
    _d = setup_inputs()
    print(jax.jit(kernel)(*tuple(_d.values())))

</pallas_src>

<mosaic_0001>
#map = affine_map<(d0, d1) -> (0, 0)>
#map1 = affine_map<(d0, d1) -> (0, 0, 0)>
module attributes {stable_mosaic.version = 14 : i64} {
  func.func @_sc_gather(%arg0: i32, %arg1: i32, %arg2: memref<102400x32xf32, #tpu.memory_space<hbm>>, %arg3: memref<16x800x128xi32, #tpu.memory_space<hbm>>, %arg4: memref<1638400x32xf32, #tpu.memory_space<hbm>>, %arg5: memref<8x128xi32, #tpu.memory_space<vmem>>, %arg6: memref<8x128xi32, #tpu.memory_space<vmem>>, %arg7: memref<1024x32xf32, #tpu.memory_space<vmem>>, %arg8: memref<1024x32xf32, #tpu.memory_space<vmem>>, %arg9: memref<!tpu.dma_semaphore, #tpu.memory_space<semaphore_mem>>, %arg10: memref<!tpu.dma_semaphore, #tpu.memory_space<semaphore_mem>>, %arg11: memref<!tpu.dma_semaphore, #tpu.memory_space<semaphore_mem>>) attributes {dimension_semantics = [#tpu.dimension_semantics<core_parallel>, #tpu.dimension_semantics<subcore_parallel>], iteration_bounds = array<i64: 2, 16>, scalar_prefetch = 0 : i64, scratch_operands = 7 : i64, tpu.core_type = #tpu.core_type<sc_vector_subcore>, window_params = [{transform_indices = #map}, {transform_indices = #map1}, {transform_indices = #map}]} {
    %mul3A = arith.constant 102400 : i32
    %mul3A_0 = arith.muli %arg1, %mul3A : i32
    %scan3A = arith.constant 0 : i32
    %scan3A_1 = arith.constant 0 : i32
    %scan3A_2 = arith.constant 25 : i32
    %scan3A_3 = arith.addi %scan3A_1, %scan3A_2 : i32
    %scan3A_4 = arith.constant 1 : i32
    scf.for %scan3A_6 = %scan3A_1 to %scan3A_3 step %scan3A_4  : i32 {
      %mul3A_7 = arith.constant 4 : i32
      %mul3A_8 = arith.muli %scan3A_6, %mul3A_7 : i32
      %add3A = arith.addi %mul3A_8, %arg0 : i32
      %add3A_9 = arith.constant 2 : i32
      %add3A_10 = arith.addi %add3A, %add3A_9 : i32
      %mul3A_11 = arith.constant 8 : i32
      %mul3A_12 = arith.muli %add3A, %mul3A_11 : i32
      "tpu.region"() ({
        %run_scoped3A = tpu.sem_alloc : memref<!tpu.dma_semaphore, #tpu.memory_space<semaphore_mem>>
        %dma_start3A_355 = arith.constant 0 : i32
        %dma_start3A_356 = tpu.memref_slice %arg3[%arg1, %mul3A_12, %dma_start3A_355] : memref<16x800x128xi32, #tpu.memory_space<hbm>> -> memref<1x8x128xi32, #tpu.memory_space<hbm>>
        %dma_start3A_357 = tpu.memref_squeeze %dma_start3A_356 : memref<1x8x128xi32, #tpu.memory_space<hbm>> -> memref<8x128xi32, #tpu.memory_space<hbm>>
        %dma_start3A_358 = arith.constant 0 : i32
        %dma_start3A_359 = tpu.memref_slice %arg3[%arg1, %mul3A_12, %dma_start3A_358] : memref<16x800x128xi32, #tpu.memory_space<hbm>> -> memref<1x8x128xi32, #tpu.memory_space<hbm>>
        %dma_start3A_360 = tpu.memref_squeeze %dma_start3A_359 : memref<1x8x128xi32, #tpu.memory_space<hbm>> -> memref<8x128xi32, #tpu.memory_space<hbm>>
        tpu.enqueue_dma source(%dma_start3A_360 : memref<8x128xi32, #tpu.memory_space<hbm>>) target(%arg5 : memref<8x128xi32, #tpu.memory_space<vmem>>) target_semaphore(%run_scoped3A : memref<!tpu.dma_semaphore, #tpu.memory_space<semaphore_mem>>)
        %dma_wait3A_361 = arith.constant 0 : i32
        %dma_wait3A_362 = tpu.memref_slice %arg3[%arg1, %mul3A_12, %dma_wait3A_361] : memref<16x800x128xi32, #tpu.memory_space<hbm>> -> memref<1x8x128xi32, #tpu.memory_space<hbm>>
        %dma_wait3A_363 = tpu.memref_squeeze %dma_wait3A_362 : memref<1x8x128xi32, #tpu.memory_space<hbm>> -> memref<8x128xi32, #tpu.memory_space<hbm>>
        %dma_wait3A_364 = arith.constant 0 : i32
        %dma_wait3A_365 = tpu.memref_slice %arg3[%arg1, %mul3A_12, %dma_wait3A_364] : memref<16x800x128xi32, #tpu.memory_space<hbm>> -> memref<1x8x128xi32, #tpu.memory_space<hbm>>
        %dma_wait3A_366 = tpu.memref_squeeze %dma_wait3A_365 : memref<1x8x128xi32, #tpu.memory_space<hbm>> -> memref<8x128xi32, #tpu.memory_space<hbm>>
        tpu.wait_dma2 semaphore(%run_scoped3A : memref<!tpu.dma_semaphore, #tpu.memory_space<semaphore_mem>>) src(%dma_wait3A_366 : memref<8x128xi32, #tpu.memory_space<hbm>>) dst(%arg5 : memref<8x128xi32, #tpu.memory_space<vmem>>)
        tpu.yield
      }) : () -> ()
      %dma_start3A = arith.constant 0 : i32
      %dma_start3A_13 = arith.constant 0 : i32
      %dma_start3A_14 = arith.constant 0 : i32
      %dma_start3A_15 = tpu.memref_slice %arg7[%dma_start3A_13, %dma_start3A_14] : memref<1024x32xf32, #tpu.memory_space<vmem>> -> memref<128x32xf32, #tpu.memory_space<vmem>>
      %dma_start3A_16 = arith.constant 0 : i32
      %dma_start3A_17 = tpu.memref_slice %arg5[%dma_start3A, %dma_start3A_16] : memref<8x128xi32, #tpu.memory_space<vmem>> -> memref<1x128xi32, #tpu.memory_space<vmem>>
      %dma_start3A_18 = tpu.memref_squeeze %dma_start3A_17 : memref<1x128xi32, #tpu.memory_space<vmem>> -> memref<128xi32, #tpu.memory_space<vmem>>
      %dma_start3A_19 = arith.constant 0 : i32
      %dma_start3A_20 = arith.constant 0 : i32
      %dma_start3A_21 = tpu.memref_slice %arg2[%dma_start3A_19, %dma_start3A_20] : memref<102400x32xf32, #tpu.memory_space<hbm>> -> memref<102400x32xf32, #tpu.memory_space<hbm>>
      tpu.enqueue_indirect_dma source(%dma_start3A_21 : memref<102400x32xf32, #tpu.memory_space<hbm>>) target(%dma_start3A_15 : memref<128x32xf32, #tpu.memory_space<vmem>>) offsets(%dma_start3A_18 : memref<128xi32, #tpu.memory_space<vmem>>) semaphore(%arg9 : memref<!tpu.dma_semaphore, #tpu.memory_space<semaphore_mem>>)
      %dma_start3A_22 = arith.constant 1 : i32
      %dma_start3A_23 = arith.constant 128 : i32
      %dma_start3A_24 = arith.constant 0 : i32
      %dma_start3A_25 = tpu.memref_slice %arg7[%dma_start3A_23, %dma_start3A_24] : memref<1024x32xf32, #tpu.memory_space<vmem>> -> memref<128x32xf32, #tpu.memory_space<vmem>>
      %dma_start3A_26 = arith.constant 0 : i32
      %dma_start3A_27 = tpu.memref_slice %arg5[%dma_start3A_22, %dma_start3A_26] : memref<8x128xi32, #tpu.memory_space<vmem>> -> memref<1x128xi32, #tpu.memory_space<vmem>>
      %dma_start3A_28 = tpu.memref_squeeze %dma_start3A_27 : memref<1x128xi32, #tpu.memory_space<vmem>> -> memref<128xi32, #tpu.memory_space<vmem>>
      %dma_start3A_29 = arith.constant 0 : i32
      %dma_start3A_30 = arith.constant 0 : i32
      %dma_start3A_31 = tpu.memref_slice %arg2[%dma_start3A_29, %dma_start3A_30] : memref<102400x32xf32, #tpu.memory_space<hbm>> -> memref<102400x32xf32, #tpu.memory_space<hbm>>
      tpu.enqueue_indirect_dma source(%dma_start3A_31 : memref<102400x32xf32, #tpu.memory_space<hbm>>) target(%dma_start3A_25 : memref<128x32xf32, #tpu.memory_space<vmem>>) offsets(%dma_start3A_28 : memref<128xi32, #tpu.memory_space<vmem>>) semaphore(%arg9 : memref<!tpu.dma_semaphore, #tpu.memory_space<semaphore_mem>>)
      %dma_start3A_32 = arith.constant 2 : i32
      %dma_start3A_33 = arith.constant 256 : i32
      %dma_start3A_34 = arith.constant 0 : i32
      %dma_start3A_35 = tpu.memref_slice %arg7[%dma_start3A_33, %dma_start3A_34] : memref<1024x32xf32, #tpu.memory_space<vmem>> -> memref<128x32xf32, #tpu.memory_space<vmem>>
      %dma_start3A_36 = arith.constant 0 : i32
      %dma_start3A_37 = tpu.memref_slice %arg5[%dma_start3A_32, %dma_start3A_36] : memref<8x128xi32, #tpu.memory_space<vmem>> -> memref<1x128xi32, #tpu.memory_space<vmem>>
      %dma_start3A_38 = tpu.memref_squeeze %dma_start3A_37 : memref<1x128xi32, #tpu.memory_space<vmem>> -> memref<128xi32, #tpu.memory_space<vmem>>
      %dma_start3A_39 = arith.constant 0 : i32
      %dma_start3A_40 = arith.constant 0 : i32
      %dma_start3A_41 = tpu.memref_slice %arg2[%dma_start3A_39, %dma_start3A_40] : memref<102400x32xf32, #tpu.memory_space<hbm>> -> memref<102400x32xf32, #tpu.memory_space<hbm>>
      tpu.enqueue_indirect_dma source(%dma_start3A_41 : memref<102400x32xf32, #tpu.memory_space<hbm>>) target(%dma_start3A_35 : memref<128x32xf32, #tpu.memory_space<vmem>>) offsets(%dma_start3A_38 : memref<128xi32, #tpu.memory_space<vmem>>) semaphore(%arg9 : memref<!tpu.dma_semaphore, #tpu.memory_space<semaphore_mem>>)
      %dma_start3A_42 = arith.constant 3 : i32
      %dma_start3A_43 = arith.constant 384 : i32
      %dma_start3A_44 = arith.constant 0 : i32
      %dma_start3A_45 = tpu.memref_slice %arg7[%dma_start3A_43, %dma_start3A_44] : memref<1024x32xf32, #tpu.memory_space<vmem>> -> memref<128x32xf32, #tpu.memory_space<vmem>>
      %dma_start3A_46 = arith.constant 0 : i32
      %dma_start3A_47 = tpu.memref_slice %arg5[%dma_start3A_42, %dma_start3A_46] : memref<8x128xi32, #tpu.memory_space<vmem>> -> memref<1x128xi32, #tpu.memory_space<vmem>>
      %dma_start3A_48 = tpu.memref_squeeze %dma_start3A_47 : memref<1x128xi32, #tpu.memory_space<vmem>> -> memref<128xi32, #tpu.memory_space<vmem>>
      %dma_start3A_49 = arith.constant 0 : i32
      %dma_start3A_50 = arith.constant 0 : i32
      %dma_start3A_51 = tpu.memref_slice %arg2[%dma_start3A_49, %dma_start3A_50] : memref<102400x32xf32, #tpu.memory_space<hbm>> -> memref<102400x32xf32, #tpu.memory_space<hbm>>
      tpu.enqueue_indirect_dma source(%dma_start3A_51 : memref<102400x32xf32, #tpu.memory_space<hbm>>) target(%dma_start3A_45 : memref<128x32xf32, #tpu.memory_space<vmem>>) offsets(%dma_start3A_48 : memref<128xi32, #tpu.memory_space<vmem>>) semaphore(%arg9 : memref<!tpu.dma_semaphore, #tpu.memory_space<semaphore_mem>>)
      %dma_start3A_52 = arith.constant 4 : i32
      %dma_start3A_53 = arith.constant 512 : i32
      %dma_start3A_54 = arith.constant 0 : i32
      %dma_start3A_55 = tpu.memref_slice %arg7[%dma_start3A_53, %dma_start3A_54] : memref<1024x32xf32, #tpu.memory_space<vmem>> -> memref<128x32xf32, #tpu.memory_space<vmem>>
      %dma_start3A_56 = arith.constant 0 : i32
      %dma_start3A_57 = tpu.memref_slice %arg5[%dma_start3A_52, %dma_start3A_56] : memref<8x128xi32, #tpu.memory_space<vmem>> -> memref<1x128xi32, #tpu.memory_space<vmem>>
      %dma_start3A_58 = tpu.memref_squeeze %dma_start3A_57 : memref<1x128xi32, #tpu.memory_space<vmem>> -> memref<128xi32, #tpu.memory_space<vmem>>
      %dma_start3A_59 = arith.constant 0 : i32
      %dma_start3A_60 = arith.constant 0 : i32
      %dma_start3A_61 = tpu.memref_slice %arg2[%dma_start3A_59, %dma_start3A_60] : memref<102400x32xf32, #tpu.memory_space<hbm>> -> memref<102400x32xf32, #tpu.memory_space<hbm>>
      tpu.enqueue_indirect_dma source(%dma_start3A_61 : memref<102400x32xf32, #tpu.memory_space<hbm>>) target(%dma_start3A_55 : memref<128x32xf32, #tpu.memory_space<vmem>>) offsets(%dma_start3A_58 : memref<128xi32, #tpu.memory_space<vmem>>) semaphore(%arg9 : memref<!tpu.dma_semaphore, #tpu.memory_space<semaphore_mem>>)
      %dma_start3A_62 = arith.constant 5 : i32
      %dma_start3A_63 = arith.constant 640 : i32
      %dma_start3A_64 = arith.constant 0 : i32
      %dma_start3A_65 = tpu.memref_slice %arg7[%dma_start3A_63, %dma_start3A_64] : memref<1024x32xf32, #tpu.memory_space<vmem>> -> memref<128x32xf32, #tpu.memory_space<vmem>>
      %dma_start3A_66 = arith.constant 0 : i32
      %dma_start3A_67 = tpu.memref_slice %arg5[%dma_start3A_62, %dma_start3A_66] : memref<8x128xi32, #tpu.memory_space<vmem>> -> memref<1x128xi32, #tpu.memory_space<vmem>>
      %dma_start3A_68 = tpu.memref_squeeze %dma_start3A_67 : memref<1x128xi32, #tpu.memory_space<vmem>> -> memref<128xi32, #tpu.memory_space<vmem>>
      %dma_start3A_69 = arith.constant 0 : i32
      %dma_start3A_70 = arith.constant 0 : i32
      %dma_start3A_71 = tpu.memref_slice %arg2[%dma_start3A_69, %dma_start3A_70] : memref<102400x32xf32, #tpu.memory_space<hbm>> -> memref<102400x32xf32, #tpu.memory_space<hbm>>
      tpu.enqueue_indirect_dma source(%dma_start3A_71 : memref<102400x32xf32, #tpu.memory_space<hbm>>) target(%dma_start3A_65 : memref<128x32xf32, #tpu.memory_space<vmem>>) offsets(%dma_start3A_68 : memref<128xi32, #tpu.memory_space<vmem>>) semaphore(%arg9 : memref<!tpu.dma_semaphore, #tpu.memory_space<semaphore_mem>>)
      %dma_start3A_72 = arith.constant 6 : i32
      %dma_start3A_73 = arith.constant 768 : i32
      %dma_start3A_74 = arith.constant 0 : i32
      %dma_start3A_75 = tpu.memref_slice %arg7[%dma_start3A_73, %dma_start3A_74] : memref<1024x32xf32, #tpu.memory_space<vmem>> -> memref<128x32xf32, #tpu.memory_space<vmem>>
      %dma_start3A_76 = arith.constant 0 : i32
      %dma_start3A_77 = tpu.memref_slice %arg5[%dma_start3A_72, %dma_start3A_76] : memref<8x128xi32, #tpu.memory_space<vmem>> -> memref<1x128xi32, #tpu.memory_space<vmem>>
      %dma_start3A_78 = tpu.memref_squeeze %dma_start3A_77 : memref<1x128xi32, #tpu.memory_space<vmem>> -> memref<128xi32, #tpu.memory_space<vmem>>
      %dma_start3A_79 = arith.constant 0 : i32
      %dma_start3A_80 = arith.constant 0 : i32
      %dma_start3A_81 = tpu.memref_slice %arg2[%dma_start3A_79, %dma_start3A_80] : memref<102400x32xf32, #tpu.memory_space<hbm>> -> memref<102400x32xf32, #tpu.memory_space<hbm>>
      tpu.enqueue_indirect_dma source(%dma_start3A_81 : memref<102400x32xf32, #tpu.memory_space<hbm>>) target(%dma_start3A_75 : memref<128x32xf32, #tpu.memory_space<vmem>>) offsets(%dma_start3A_78 : memref<128xi32, #tpu.memory_space<vmem>>) semaphore(%arg9 : memref<!tpu.dma_semaphore, #tpu.memory_space<semaphore_mem>>)
      %dma_start3A_82 = arith.constant 7 : i32
      %dma_start3A_83 = arith.constant 896 : i32
      %dma_start3A_84 = arith.constant 0 : i32
      %dma_start3A_85 = tpu.memref_slice %arg7[%dma_start3A_83, %dma_start3A_84] : memref<1024x32xf32, #tpu.memory_space<vmem>> -> memref<128x32xf32, #tpu.memory_space<vmem>>
      %dma_start3A_86 = arith.constant 0 : i32
      %dma_start3A_87 = tpu.memref_slice %arg5[%dma_start3A_82, %dma_start3A_86] : memref<8x128xi32, #tpu.memory_space<vmem>> -> memref<1x128xi32, #tpu.memory_space<vmem>>
      %dma_start3A_88 = tpu.memref_squeeze %dma_start3A_87 : memref<1x128xi32, #tpu.memory_space<vmem>> -> memref<128xi32, #tpu.memory_space<vmem>>
      %dma_start3A_89 = arith.constant 0 : i32
      %dma_start3A_90 = arith.constant 0 : i32
      %dma_start3A_91 = tpu.memref_slice %arg2[%dma_start3A_89, %dma_start3A_90] : memref<102400x32xf32, #tpu.memory_space<hbm>> -> memref<102400x32xf32, #tpu.memory_space<hbm>>
      tpu.enqueue_indirect_dma source(%dma_start3A_91 : memref<102400x32xf32, #tpu.memory_space<hbm>>) target(%dma_start3A_85 : memref<128x32xf32, #tpu.memory_space<vmem>>) offsets(%dma_start3A_88 : memref<128xi32, #tpu.memory_space<vmem>>) semaphore(%arg9 : memref<!tpu.dma_semaphore, #tpu.memory_space<semaphore_mem>>)
      %mul3A_92 = arith.constant 8 : i32
      %mul3A_93 = arith.muli %add3A_10, %mul3A_92 : i32
      "tpu.region"() ({
        %run_scoped3A = tpu.sem_alloc : memref<!tpu.dma_semaphore, #tpu.memory_space<semaphore_mem>>
        %dma_start3A_355 = arith.constant 0 : i32
        %dma_start3A_356 = tpu.memref_slice %arg3[%arg1, %mul3A_93, %dma_start3A_355] : memref<16x800x128xi32, #tpu.memory_space<hbm>> -> memref<1x8x128xi32, #tpu.memory_space<hbm>>
        %dma_start3A_357 = tpu.memref_squeeze %dma_start3A_356 : memref<1x8x128xi32, #tpu.memory_space<hbm>> -> memref<8x128xi32, #tpu.memory_space<hbm>>
        %dma_start3A_358 = arith.constant 0 : i32
        %dma_start3A_359 = tpu.memref_slice %arg3[%arg1, %mul3A_93, %dma_start3A_358] : memref<16x800x128xi32, #tpu.memory_space<hbm>> -> memref<1x8x128xi32, #tpu.memory_space<hbm>>
        %dma_start3A_360 = tpu.memref_squeeze %dma_start3A_359 : memref<1x8x128xi32, #tpu.memory_space<hbm>> -> memref<8x128xi32, #tpu.memory_space<hbm>>
        tpu.enqueue_dma source(%dma_start3A_360 : memref<8x128xi32, #tpu.memory_space<hbm>>) target(%arg6 : memref<8x128xi32, #tpu.memory_space<vmem>>) target_semaphore(%run_scoped3A : memref<!tpu.dma_semaphore, #tpu.memory_space<semaphore_mem>>)
        %dma_wait3A_361 = arith.constant 0 : i32
        %dma_wait3A_362 = tpu.memref_slice %arg3[%arg1, %mul3A_93, %dma_wait3A_361] : memref<16x800x128xi32, #tpu.memory_space<hbm>> -> memref<1x8x128xi32, #tpu.memory_space<hbm>>
        %dma_wait3A_363 = tpu.memref_squeeze %dma_wait3A_362 : memref<1x8x128xi32, #tpu.memory_space<hbm>> -> memref<8x128xi32, #tpu.memory_space<hbm>>
        %dma_wait3A_364 = arith.constant 0 : i32
        %dma_wait3A_365 = tpu.memref_slice %arg3[%arg1, %mul3A_93, %dma_wait3A_364] : memref<16x800x128xi32, #tpu.memory_space<hbm>> -> memref<1x8x128xi32, #tpu.memory_space<hbm>>
        %dma_wait3A_366 = tpu.memref_squeeze %dma_wait3A_365 : memref<1x8x128xi32, #tpu.memory_space<hbm>> -> memref<8x128xi32, #tpu.memory_space<hbm>>
        tpu.wait_dma2 semaphore(%run_scoped3A : memref<!tpu.dma_semaphore, #tpu.memory_space<semaphore_mem>>) src(%dma_wait3A_366 : memref<8x128xi32, #tpu.memory_space<hbm>>) dst(%arg6 : memref<8x128xi32, #tpu.memory_space<vmem>>)
        tpu.yield
      }) : () -> ()
      %dma_start3A_94 = arith.constant 0 : i32
      %dma_start3A_95 = arith.constant 0 : i32
      %dma_start3A_96 = arith.constant 0 : i32
      %dma_start3A_97 = tpu.memref_slice %arg8[%dma_start3A_95, %dma_start3A_96] : memref<1024x32xf32, #tpu.memory_space<vmem>> -> memref<128x32xf32, #tpu.memory_space<vmem>>
      %dma_start3A_98 = arith.constant 0 : i32
      %dma_start3A_99 = tpu.memref_slice %arg6[%dma_start3A_94, %dma_start3A_98] : memref<8x128xi32, #tpu.memory_space<vmem>> -> memref<1x128xi32, #tpu.memory_space<vmem>>
      %dma_start3A_100 = tpu.memref_squeeze %dma_start3A_99 : memref<1x128xi32, #tpu.memory_space<vmem>> -> memref<128xi32, #tpu.memory_space<vmem>>
      %dma_start3A_101 = arith.constant 0 : i32
      %dma_start3A_102 = arith.constant 0 : i32
      %dma_start3A_103 = tpu.memref_slice %arg2[%dma_start3A_101, %dma_start3A_102] : memref<102400x32xf32, #tpu.memory_space<hbm>> -> memref<102400x32xf32, #tpu.memory_space<hbm>>
      tpu.enqueue_indirect_dma source(%dma_start3A_103 : memref<102400x32xf32, #tpu.memory_space<hbm>>) target(%dma_start3A_97 : memref<128x32xf32, #tpu.memory_space<vmem>>) offsets(%dma_start3A_100 : memref<128xi32, #tpu.memory_space<vmem>>) semaphore(%arg10 : memref<!tpu.dma_semaphore, #tpu.memory_space<semaphore_mem>>)
      %dma_start3A_104 = arith.constant 1 : i32
      %dma_start3A_105 = arith.constant 128 : i32
      %dma_start3A_106 = arith.constant 0 : i32
      %dma_start3A_107 = tpu.memref_slice %arg8[%dma_start3A_105, %dma_start3A_106] : memref<1024x32xf32, #tpu.memory_space<vmem>> -> memref<128x32xf32, #tpu.memory_space<vmem>>
      %dma_start3A_108 = arith.constant 0 : i32
      %dma_start3A_109 = tpu.memref_slice %arg6[%dma_start3A_104, %dma_start3A_108] : memref<8x128xi32, #tpu.memory_space<vmem>> -> memref<1x128xi32, #tpu.memory_space<vmem>>
      %dma_start3A_110 = tpu.memref_squeeze %dma_start3A_109 : memref<1x128xi32, #tpu.memory_space<vmem>> -> memref<128xi32, #tpu.memory_space<vmem>>
      %dma_start3A_111 = arith.constant 0 : i32
      %dma_start3A_112 = arith.constant 0 : i32
      %dma_start3A_113 = tpu.memref_slice %arg2[%dma_start3A_111, %dma_start3A_112] : memref<102400x32xf32, #tpu.memory_space<hbm>> -> memref<102400x32xf32, #tpu.memory_space<hbm>>
      tpu.enqueue_indirect_dma source(%dma_start3A_113 : memref<102400x32xf32, #tpu.memory_space<hbm>>) target(%dma_start3A_107 : memref<128x32xf32, #tpu.memory_space<vmem>>) offsets(%dma_start3A_110 : memref<128xi32, #tpu.memory_space<vmem>>) semaphore(%arg10 : memref<!tpu.dma_semaphore, #tpu.memory_space<semaphore_mem>>)
      %dma_start3A_114 = arith.constant 2 : i32
      %dma_start3A_115 = arith.constant 256 : i32
      %dma_start3A_116 = arith.constant 0 : i32
      %dma_start3A_117 = tpu.memref_slice %arg8[%dma_start3A_115, %dma_start3A_116] : memref<1024x32xf32, #tpu.memory_space<vmem>> -> memref<128x32xf32, #tpu.memory_space<vmem>>
      %dma_start3A_118 = arith.constant 0 : i32
      %dma_start3A_119 = tpu.memref_slice %arg6[%dma_start3A_114, %dma_start3A_118] : memref<8x128xi32, #tpu.memory_space<vmem>> -> memref<1x128xi32, #tpu.memory_space<vmem>>
      %dma_start3A_120 = tpu.memref_squeeze %dma_start3A_119 : memref<1x128xi32, #tpu.memory_space<vmem>> -> memref<128xi32, #tpu.memory_space<vmem>>
      %dma_start3A_121 = arith.constant 0 : i32
      %dma_start3A_122 = arith.constant 0 : i32
      %dma_start3A_123 = tpu.memref_slice %arg2[%dma_start3A_121, %dma_start3A_122] : memref<102400x32xf32, #tpu.memory_space<hbm>> -> memref<102400x32xf32, #tpu.memory_space<hbm>>
      tpu.enqueue_indirect_dma source(%dma_start3A_123 : memref<102400x32xf32, #tpu.memory_space<hbm>>) target(%dma_start3A_117 : memref<128x32xf32, #tpu.memory_space<vmem>>) offsets(%dma_start3A_120 : memref<128xi32, #tpu.memory_space<vmem>>) semaphore(%arg10 : memref<!tpu.dma_semaphore, #tpu.memory_space<semaphore_mem>>)
      %dma_start3A_124 = arith.constant 3 : i32
      %dma_start3A_125 = arith.constant 384 : i32
      %dma_start3A_126 = arith.constant 0 : i32
      %dma_start3A_127 = tpu.memref_slice %arg8[%dma_start3A_125, %dma_start3A_126] : memref<1024x32xf32, #tpu.memory_space<vmem>> -> memref<128x32xf32, #tpu.memory_space<vmem>>
      %dma_start3A_128 = arith.constant 0 : i32
      %dma_start3A_129 = tpu.memref_slice %arg6[%dma_start3A_124, %dma_start3A_128] : memref<8x128xi32, #tpu.memory_space<vmem>> -> memref<1x128xi32, #tpu.memory_space<vmem>>
      %dma_start3A_130 = tpu.memref_squeeze %dma_start3A_129 : memref<1x128xi32, #tpu.memory_space<vmem>> -> memref<128xi32, #tpu.memory_space<vmem>>
      %dma_start3A_131 = arith.constant 0 : i32
      %dma_start3A_132 = arith.constant 0 : i32
      %dma_start3A_133 = tpu.memref_slice %arg2[%dma_start3A_131, %dma_start3A_132] : memref<102400x32xf32, #tpu.memory_space<hbm>> -> memref<102400x32xf32, #tpu.memory_space<hbm>>
      tpu.enqueue_indirect_dma source(%dma_start3A_133 : memref<102400x32xf32, #tpu.memory_space<hbm>>) target(%dma_start3A_127 : memref<128x32xf32, #tpu.memory_space<vmem>>) offsets(%dma_start3A_130 : memref<128xi32, #tpu.memory_space<vmem>>) semaphore(%arg10 : memref<!tpu.dma_semaphore, #tpu.memory_space<semaphore_mem>>)
      %dma_start3A_134 = arith.constant 4 : i32
      %dma_start3A_135 = arith.constant 512 : i32
      %dma_start3A_136 = arith.constant 0 : i32
      %dma_start3A_137 = tpu.memref_slice %arg8[%dma_start3A_135, %dma_start3A_136] : memref<1024x32xf32, #tpu.memory_space<vmem>> -> memref<128x32xf32, #tpu.memory_space<vmem>>
      %dma_start3A_138 = arith.constant 0 : i32
      %dma_start3A_139 = tpu.memref_slice %arg6[%dma_start3A_134, %dma_start3A_138] : memref<8x128xi32, #tpu.memory_space<vmem>> -> memref<1x128xi32, #tpu.memory_space<vmem>>
      %dma_start3A_140 = tpu.memref_squeeze %dma_start3A_139 : memref<1x128xi32, #tpu.memory_space<vmem>> -> memref<128xi32, #tpu.memory_space<vmem>>
      %dma_start3A_141 = arith.constant 0 : i32
      %dma_start3A_142 = arith.constant 0 : i32
      %dma_start3A_143 = tpu.memref_slice %arg2[%dma_start3A_141, %dma_start3A_142] : memref<102400x32xf32, #tpu.memory_space<hbm>> -> memref<102400x32xf32, #tpu.memory_space<hbm>>
      tpu.enqueue_indirect_dma source(%dma_start3A_143 : memref<102400x32xf32, #tpu.memory_space<hbm>>) target(%dma_start3A_137 : memref<128x32xf32, #tpu.memory_space<vmem>>) offsets(%dma_start3A_140 : memref<128xi32, #tpu.memory_space<vmem>>) semaphore(%arg10 : memref<!tpu.dma_semaphore, #tpu.memory_space<semaphore_mem>>)
      %dma_start3A_144 = arith.constant 5 : i32
      %dma_start3A_145 = arith.constant 640 : i32
      %dma_start3A_146 = arith.constant 0 : i32
      %dma_start3A_147 = tpu.memref_slice %arg8[%dma_start3A_145, %dma_start3A_146] : memref<1024x32xf32, #tpu.memory_space<vmem>> -> memref<128x32xf32, #tpu.memory_space<vmem>>
      %dma_start3A_148 = arith.constant 0 : i32
      %dma_start3A_149 = tpu.memref_slice %arg6[%dma_start3A_144, %dma_start3A_148] : memref<8x128xi32, #tpu.memory_space<vmem>> -> memref<1x128xi32, #tpu.memory_space<vmem>>
      %dma_start3A_150 = tpu.memref_squeeze %dma_start3A_149 : memref<1x128xi32, #tpu.memory_space<vmem>> -> memref<128xi32, #tpu.memory_space<vmem>>
      %dma_start3A_151 = arith.constant 0 : i32
      %dma_start3A_152 = arith.constant 0 : i32
      %dma_start3A_153 = tpu.memref_slice %arg2[%dma_start3A_151, %dma_start3A_152] : memref<102400x32xf32, #tpu.memory_space<hbm>> -> memref<102400x32xf32, #tpu.memory_space<hbm>>
      tpu.enqueue_indirect_dma source(%dma_start3A_153 : memref<102400x32xf32, #tpu.memory_space<hbm>>) target(%dma_start3A_147 : memref<128x32xf32, #tpu.memory_space<vmem>>) offsets(%dma_start3A_150 : memref<128xi32, #tpu.memory_space<vmem>>) semaphore(%arg10 : memref<!tpu.dma_semaphore, #tpu.memory_space<semaphore_mem>>)
      %dma_start3A_154 = arith.constant 6 : i32
      %dma_start3A_155 = arith.constant 768 : i32
      %dma_start3A_156 = arith.constant 0 : i32
      %dma_start3A_157 = tpu.memref_slice %arg8[%dma_start3A_155, %dma_start3A_156] : memref<1024x32xf32, #tpu.memory_space<vmem>> -> memref<128x32xf32, #tpu.memory_space<vmem>>
      %dma_start3A_158 = arith.constant 0 : i32
      %dma_start3A_159 = tpu.memref_slice %arg6[%dma_start3A_154, %dma_start3A_158] : memref<8x128xi32, #tpu.memory_space<vmem>> -> memref<1x128xi32, #tpu.memory_space<vmem>>
      %dma_start3A_160 = tpu.memref_squeeze %dma_start3A_159 : memref<1x128xi32, #tpu.memory_space<vmem>> -> memref<128xi32, #tpu.memory_space<vmem>>
      %dma_start3A_161 = arith.constant 0 : i32
      %dma_start3A_162 = arith.constant 0 : i32
      %dma_start3A_163 = tpu.memref_slice %arg2[%dma_start3A_161, %dma_start3A_162] : memref<102400x32xf32, #tpu.memory_space<hbm>> -> memref<102400x32xf32, #tpu.memory_space<hbm>>
      tpu.enqueue_indirect_dma source(%dma_start3A_163 : memref<102400x32xf32, #tpu.memory_space<hbm>>) target(%dma_start3A_157 : memref<128x32xf32, #tpu.memory_space<vmem>>) offsets(%dma_start3A_160 : memref<128xi32, #tpu.memory_space<vmem>>) semaphore(%arg10 : memref<!tpu.dma_semaphore, #tpu.memory_space<semaphore_mem>>)
      %dma_start3A_164 = arith.constant 7 : i32
      %dma_start3A_165 = arith.constant 896 : i32
      %dma_start3A_166 = arith.constant 0 : i32
      %dma_start3A_167 = tpu.memref_slice %arg8[%dma_start3A_165, %dma_start3A_166] : memref<1024x32xf32, #tpu.memory_space<vmem>> -> memref<128x32xf32, #tpu.memory_space<vmem>>
      %dma_start3A_168 = arith.constant 0 : i32
      %dma_start3A_169 = tpu.memref_slice %arg6[%dma_start3A_164, %dma_start3A_168] : memref<8x128xi32, #tpu.memory_space<vmem>> -> memref<1x128xi32, #tpu.memory_space<vmem>>
      %dma_start3A_170 = tpu.memref_squeeze %dma_start3A_169 : memref<1x128xi32, #tpu.memory_space<vmem>> -> memref<128xi32, #tpu.memory_space<vmem>>
      %dma_start3A_171 = arith.constant 0 : i32
      %dma_start3A_172 = arith.constant 0 : i32
      %dma_start3A_173 = tpu.memref_slice %arg2[%dma_start3A_171, %dma_start3A_172] : memref<102400x32xf32, #tpu.memory_space<hbm>> -> memref<102400x32xf32, #tpu.memory_space<hbm>>
      tpu.enqueue_indirect_dma source(%dma_start3A_173 : memref<102400x32xf32, #tpu.memory_space<hbm>>) target(%dma_start3A_167 : memref<128x32xf32, #tpu.memory_space<vmem>>) offsets(%dma_start3A_170 : memref<128xi32, #tpu.memory_space<vmem>>) semaphore(%arg10 : memref<!tpu.dma_semaphore, #tpu.memory_space<semaphore_mem>>)
      %dma_wait3A = arith.constant 0 : i32
      %dma_wait3A_174 = arith.constant 0 : i32
      %dma_wait3A_175 = arith.constant 0 : i32
      %dma_wait3A_176 = tpu.memref_slice %arg7[%dma_wait3A_174, %dma_wait3A_175] : memref<1024x32xf32, #tpu.memory_space<vmem>> -> memref<128x32xf32, #tpu.memory_space<vmem>>
      %dma_wait3A_177 = arith.constant 0 : i32
      %dma_wait3A_178 = tpu.memref_slice %arg5[%dma_wait3A, %dma_wait3A_177] : memref<8x128xi32, #tpu.memory_space<vmem>> -> memref<1x128xi32, #tpu.memory_space<vmem>>
      %dma_wait3A_179 = tpu.memref_squeeze %dma_wait3A_178 : memref<1x128xi32, #tpu.memory_space<vmem>> -> memref<128xi32, #tpu.memory_space<vmem>>
      %dma_wait3A_180 = arith.constant 0 : i32
      %dma_wait3A_181 = arith.constant 0 : i32
      %dma_wait3A_182 = tpu.memref_slice %arg2[%dma_wait3A_180, %dma_wait3A_181] : memref<102400x32xf32, #tpu.memory_space<hbm>> -> memref<102400x32xf32, #tpu.memory_space<hbm>>
      tpu.wait_indirect_dma semaphore(%arg9 : memref<!tpu.dma_semaphore, #tpu.memory_space<semaphore_mem>>) src(%dma_wait3A_182 : memref<102400x32xf32, #tpu.memory_space<hbm>>) dst(%dma_wait3A_176 : memref<128x32xf32, #tpu.memory_space<vmem>>)
      %dma_wait3A_183 = arith.constant 1 : i32
      %dma_wait3A_184 = arith.constant 128 : i32
      %dma_wait3A_185 = arith.constant 0 : i32
      %dma_wait3A_186 = tpu.memref_slice %arg7[%dma_wait3A_184, %dma_wait3A_185] : memref<1024x32xf32, #tpu.memory_space<vmem>> -> memref<128x32xf32, #tpu.memory_space<vmem>>
      %dma_wait3A_187 = arith.constant 0 : i32
      %dma_wait3A_188 = tpu.memref_slice %arg5[%dma_wait3A_183, %dma_wait3A_187] : memref<8x128xi32, #tpu.memory_space<vmem>> -> memref<1x128xi32, #tpu.memory_space<vmem>>
      %dma_wait3A_189 = tpu.memref_squeeze %dma_wait3A_188 : memref<1x128xi32, #tpu.memory_space<vmem>> -> memref<128xi32, #tpu.memory_space<vmem>>
      %dma_wait3A_190 = arith.constant 0 : i32
      %dma_wait3A_191 = arith.constant 0 : i32
      %dma_wait3A_192 = tpu.memref_slice %arg2[%dma_wait3A_190, %dma_wait3A_191] : memref<102400x32xf32, #tpu.memory_space<hbm>> -> memref<102400x32xf32, #tpu.memory_space<hbm>>
      tpu.wait_indirect_dma semaphore(%arg9 : memref<!tpu.dma_semaphore, #tpu.memory_space<semaphore_mem>>) src(%dma_wait3A_192 : memref<102400x32xf32, #tpu.memory_space<hbm>>) dst(%dma_wait3A_186 : memref<128x32xf32, #tpu.memory_space<vmem>>)
      %dma_wait3A_193 = arith.constant 2 : i32
      %dma_wait3A_194 = arith.constant 256 : i32
      %dma_wait3A_195 = arith.constant 0 : i32
      %dma_wait3A_196 = tpu.memref_slice %arg7[%dma_wait3A_194, %dma_wait3A_195] : memref<1024x32xf32, #tpu.memory_space<vmem>> -> memref<128x32xf32, #tpu.memory_space<vmem>>
      %dma_wait3A_197 = arith.constant 0 : i32
      %dma_wait3A_198 = tpu.memref_slice %arg5[%dma_wait3A_193, %dma_wait3A_197] : memref<8x128xi32, #tpu.memory_space<vmem>> -> memref<1x128xi32, #tpu.memory_space<vmem>>
      %dma_wait3A_199 = tpu.memref_squeeze %dma_wait3A_198 : memref<1x128xi32, #tpu.memory_space<vmem>> -> memref<128xi32, #tpu.memory_space<vmem>>
      %dma_wait3A_200 = arith.constant 0 : i32
      %dma_wait3A_201 = arith.constant 0 : i32
      %dma_wait3A_202 = tpu.memref_slice %arg2[%dma_wait3A_200, %dma_wait3A_201] : memref<102400x32xf32, #tpu.memory_space<hbm>> -> memref<102400x32xf32, #tpu.memory_space<hbm>>
      tpu.wait_indirect_dma semaphore(%arg9 : memref<!tpu.dma_semaphore, #tpu.memory_space<semaphore_mem>>) src(%dma_wait3A_202 : memref<102400x32xf32, #tpu.memory_space<hbm>>) dst(%dma_wait3A_196 : memref<128x32xf32, #tpu.memory_space<vmem>>)
      %dma_wait3A_203 = arith.constant 3 : i32
      %dma_wait3A_204 = arith.constant 384 : i32
      %dma_wait3A_205 = arith.constant 0 : i32
      %dma_wait3A_206 = tpu.memref_slice %arg7[%dma_wait3A_204, %dma_wait3A_205] : memref<1024x32xf32, #tpu.memory_space<vmem>> -> memref<128x32xf32, #tpu.memory_space<vmem>>
      %dma_wait3A_207 = arith.constant 0 : i32
      %dma_wait3A_208 = tpu.memref_slice %arg5[%dma_wait3A_203, %dma_wait3A_207] : memref<8x128xi32, #tpu.memory_space<vmem>> -> memref<1x128xi32, #tpu.memory_space<vmem>>
      %dma_wait3A_209 = tpu.memref_squeeze %dma_wait3A_208 : memref<1x128xi32, #tpu.memory_space<vmem>> -> memref<128xi32, #tpu.memory_space<vmem>>
      %dma_wait3A_210 = arith.constant 0 : i32
      %dma_wait3A_211 = arith.constant 0 : i32
      %dma_wait3A_212 = tpu.memref_slice %arg2[%dma_wait3A_210, %dma_wait3A_211] : memref<102400x32xf32, #tpu.memory_space<hbm>> -> memref<102400x32xf32, #tpu.memory_space<hbm>>
      tpu.wait_indirect_dma semaphore(%arg9 : memref<!tpu.dma_semaphore, #tpu.memory_space<semaphore_mem>>) src(%dma_wait3A_212 : memref<102400x32xf32, #tpu.memory_space<hbm>>) dst(%dma_wait3A_206 : memref<128x32xf32, #tpu.memory_space<vmem>>)
      %dma_wait3A_213 = arith.constant 4 : i32
      %dma_wait3A_214 = arith.constant 512 : i32
      %dma_wait3A_215 = arith.constant 0 : i32
      %dma_wait3A_216 = tpu.memref_slice %arg7[%dma_wait3A_214, %dma_wait3A_215] : memref<1024x32xf32, #tpu.memory_space<vmem>> -> memref<128x32xf32, #tpu.memory_space<vmem>>
      %dma_wait3A_217 = arith.constant 0 : i32
      %dma_wait3A_218 = tpu.memref_slice %arg5[%dma_wait3A_213, %dma_wait3A_217] : memref<8x128xi32, #tpu.memory_space<vmem>> -> memref<1x128xi32, #tpu.memory_space<vmem>>
      %dma_wait3A_219 = tpu.memref_squeeze %dma_wait3A_218 : memref<1x128xi32, #tpu.memory_space<vmem>> -> memref<128xi32, #tpu.memory_space<vmem>>
      %dma_wait3A_220 = arith.constant 0 : i32
      %dma_wait3A_221 = arith.constant 0 : i32
      %dma_wait3A_222 = tpu.memref_slice %arg2[%dma_wait3A_220, %dma_wait3A_221] : memref<102400x32xf32, #tpu.memory_space<hbm>> -> memref<102400x32xf32, #tpu.memory_space<hbm>>
      tpu.wait_indirect_dma semaphore(%arg9 : memref<!tpu.dma_semaphore, #tpu.memory_space<semaphore_mem>>) src(%dma_wait3A_222 : memref<102400x32xf32, #tpu.memory_space<hbm>>) dst(%dma_wait3A_216 : memref<128x32xf32, #tpu.memory_space<vmem>>)
      %dma_wait3A_223 = arith.constant 5 : i32
      %dma_wait3A_224 = arith.constant 640 : i32
      %dma_wait3A_225 = arith.constant 0 : i32
      %dma_wait3A_226 = tpu.memref_slice %arg7[%dma_wait3A_224, %dma_wait3A_225] : memref<1024x32xf32, #tpu.memory_space<vmem>> -> memref<128x32xf32, #tpu.memory_space<vmem>>
      %dma_wait3A_227 = arith.constant 0 : i32
      %dma_wait3A_228 = tpu.memref_slice %arg5[%dma_wait3A_223, %dma_wait3A_227] : memref<8x128xi32, #tpu.memory_space<vmem>> -> memref<1x128xi32, #tpu.memory_space<vmem>>
      %dma_wait3A_229 = tpu.memref_squeeze %dma_wait3A_228 : memref<1x128xi32, #tpu.memory_space<vmem>> -> memref<128xi32, #tpu.memory_space<vmem>>
      %dma_wait3A_230 = arith.constant 0 : i32
      %dma_wait3A_231 = arith.constant 0 : i32
      %dma_wait3A_232 = tpu.memref_slice %arg2[%dma_wait3A_230, %dma_wait3A_231] : memref<102400x32xf32, #tpu.memory_space<hbm>> -> memref<102400x32xf32, #tpu.memory_space<hbm>>
      tpu.wait_indirect_dma semaphore(%arg9 : memref<!tpu.dma_semaphore, #tpu.memory_space<semaphore_mem>>) src(%dma_wait3A_232 : memref<102400x32xf32, #tpu.memory_space<hbm>>) dst(%dma_wait3A_226 : memref<128x32xf32, #tpu.memory_space<vmem>>)
      %dma_wait3A_233 = arith.constant 6 : i32
      %dma_wait3A_234 = arith.constant 768 : i32
      %dma_wait3A_235 = arith.constant 0 : i32
      %dma_wait3A_236 = tpu.memref_slice %arg7[%dma_wait3A_234, %dma_wait3A_235] : memref<1024x32xf32, #tpu.memory_space<vmem>> -> memref<128x32xf32, #tpu.memory_space<vmem>>
      %dma_wait3A_237 = arith.constant 0 : i32
      %dma_wait3A_238 = tpu.memref_slice %arg5[%dma_wait3A_233, %dma_wait3A_237] : memref<8x128xi32, #tpu.memory_space<vmem>> -> memref<1x128xi32, #tpu.memory_space<vmem>>
      %dma_wait3A_239 = tpu.memref_squeeze %dma_wait3A_238 : memref<1x128xi32, #tpu.memory_space<vmem>> -> memref<128xi32, #tpu.memory_space<vmem>>
      %dma_wait3A_240 = arith.constant 0 : i32
      %dma_wait3A_241 = arith.constant 0 : i32
      %dma_wait3A_242 = tpu.memref_slice %arg2[%dma_wait3A_240, %dma_wait3A_241] : memref<102400x32xf32, #tpu.memory_space<hbm>> -> memref<102400x32xf32, #tpu.memory_space<hbm>>
      tpu.wait_indirect_dma semaphore(%arg9 : memref<!tpu.dma_semaphore, #tpu.memory_space<semaphore_mem>>) src(%dma_wait3A_242 : memref<102400x32xf32, #tpu.memory_space<hbm>>) dst(%dma_wait3A_236 : memref<128x32xf32, #tpu.memory_space<vmem>>)
      %dma_wait3A_243 = arith.constant 7 : i32
      %dma_wait3A_244 = arith.constant 896 : i32
      %dma_wait3A_245 = arith.constant 0 : i32
      %dma_wait3A_246 = tpu.memref_slice %arg7[%dma_wait3A_244, %dma_wait3A_245] : memref<1024x32xf32, #tpu.memory_space<vmem>> -> memref<128x32xf32, #tpu.memory_space<vmem>>
      %dma_wait3A_247 = arith.constant 0 : i32
      %dma_wait3A_248 = tpu.memref_slice %arg5[%dma_wait3A_243, %dma_wait3A_247] : memref<8x128xi32, #tpu.memory_space<vmem>> -> memref<1x128xi32, #tpu.memory_space<vmem>>
      %dma_wait3A_249 = tpu.memref_squeeze %dma_wait3A_248 : memref<1x128xi32, #tpu.memory_space<vmem>> -> memref<128xi32, #tpu.memory_space<vmem>>
      %dma_wait3A_250 = arith.constant 0 : i32
      %dma_wait3A_251 = arith.constant 0 : i32
      %dma_wait3A_252 = tpu.memref_slice %arg2[%dma_wait3A_250, %dma_wait3A_251] : memref<102400x32xf32, #tpu.memory_space<hbm>> -> memref<102400x32xf32, #tpu.memory_space<hbm>>
      tpu.wait_indirect_dma semaphore(%arg9 : memref<!tpu.dma_semaphore, #tpu.memory_space<semaphore_mem>>) src(%dma_wait3A_252 : memref<102400x32xf32, #tpu.memory_space<hbm>>) dst(%dma_wait3A_246 : memref<128x32xf32, #tpu.memory_space<vmem>>)
      %mul3A_253 = arith.constant 1024 : i32
      %mul3A_254 = arith.muli %add3A, %mul3A_253 : i32
      %add3A_255 = arith.addi %mul3A_0, %mul3A_254 : i32
      %dma_start3A_256 = arith.constant 0 : i32
      %dma_start3A_257 = tpu.memref_slice %arg4[%add3A_255, %dma_start3A_256] : memref<1638400x32xf32, #tpu.memory_space<hbm>> -> memref<1024x32xf32, #tpu.memory_space<hbm>>
      %dma_start3A_258 = arith.constant 0 : i32
      %dma_start3A_259 = tpu.memref_slice %arg4[%add3A_255, %dma_start3A_258] : memref<1638400x32xf32, #tpu.memory_space<hbm>> -> memref<1024x32xf32, #tpu.memory_space<hbm>>
      tpu.enqueue_dma source(%arg7 : memref<1024x32xf32, #tpu.memory_space<vmem>>) target(%dma_start3A_259 : memref<1024x32xf32, #tpu.memory_space<hbm>>) target_semaphore(%arg11 : memref<!tpu.dma_semaphore, #tpu.memory_space<semaphore_mem>>)
      %dma_wait3A_260 = arith.constant 0 : i32
      %dma_wait3A_261 = arith.constant 0 : i32
      %dma_wait3A_262 = arith.constant 0 : i32
      %dma_wait3A_263 = tpu.memref_slice %arg8[%dma_wait3A_261, %dma_wait3A_262] : memref<1024x32xf32, #tpu.memory_space<vmem>> -> memref<128x32xf32, #tpu.memory_space<vmem>>
      %dma_wait3A_264 = arith.constant 0 : i32
      %dma_wait3A_265 = tpu.memref_slice %arg6[%dma_wait3A_260, %dma_wait3A_264] : memref<8x128xi32, #tpu.memory_space<vmem>> -> memref<1x128xi32, #tpu.memory_space<vmem>>
      %dma_wait3A_266 = tpu.memref_squeeze %dma_wait3A_265 : memref<1x128xi32, #tpu.memory_space<vmem>> -> memref<128xi32, #tpu.memory_space<vmem>>
      %dma_wait3A_267 = arith.constant 0 : i32
      %dma_wait3A_268 = arith.constant 0 : i32
      %dma_wait3A_269 = tpu.memref_slice %arg2[%dma_wait3A_267, %dma_wait3A_268] : memref<102400x32xf32, #tpu.memory_space<hbm>> -> memref<102400x32xf32, #tpu.memory_space<hbm>>
      tpu.wait_indirect_dma semaphore(%arg10 : memref<!tpu.dma_semaphore, #tpu.memory_space<semaphore_mem>>) src(%dma_wait3A_269 : memref<102400x32xf32, #tpu.memory_space<hbm>>) dst(%dma_wait3A_263 : memref<128x32xf32, #tpu.memory_space<vmem>>)
      %dma_wait3A_270 = arith.constant 1 : i32
      %dma_wait3A_271 = arith.constant 128 : i32
      %dma_wait3A_272 = arith.constant 0 : i32
      %dma_wait3A_273 = tpu.memref_slice %arg8[%dma_wait3A_271, %dma_wait3A_272] : memref<1024x32xf32, #tpu.memory_space<vmem>> -> memref<128x32xf32, #tpu.memory_space<vmem>>
      %dma_wait3A_274 = arith.constant 0 : i32
      %dma_wait3A_275 = tpu.memref_slice %arg6[%dma_wait3A_270, %dma_wait3A_274] : memref<8x128xi32, #tpu.memory_space<vmem>> -> memref<1x128xi32, #tpu.memory_space<vmem>>
      %dma_wait3A_276 = tpu.memref_squeeze %dma_wait3A_275 : memref<1x128xi32, #tpu.memory_space<vmem>> -> memref<128xi32, #tpu.memory_space<vmem>>
      %dma_wait3A_277 = arith.constant 0 : i32
      %dma_wait3A_278 = arith.constant 0 : i32
      %dma_wait3A_279 = tpu.memref_slice %arg2[%dma_wait3A_277, %dma_wait3A_278] : memref<102400x32xf32, #tpu.memory_space<hbm>> -> memref<102400x32xf32, #tpu.memory_space<hbm>>
      tpu.wait_indirect_dma semaphore(%arg10 : memref<!tpu.dma_semaphore, #tpu.memory_space<semaphore_mem>>) src(%dma_wait3A_279 : memref<102400x32xf32, #tpu.memory_space<hbm>>) dst(%dma_wait3A_273 : memref<128x32xf32, #tpu.memory_space<vmem>>)
      %dma_wait3A_280 = arith.constant 2 : i32
      %dma_wait3A_281 = arith.constant 256 : i32
      %dma_wait3A_282 = arith.constant 0 : i32
      %dma_wait3A_283 = tpu.memref_slice %arg8[%dma_wait3A_281, %dma_wait3A_282] : memref<1024x32xf32, #tpu.memory_space<vmem>> -> memref<128x32xf32, #tpu.memory_space<vmem>>
      %dma_wait3A_284 = arith.constant 0 : i32
      %dma_wait3A_285 = tpu.memref_slice %arg6[%dma_wait3A_280, %dma_wait3A_284] : memref<8x128xi32, #tpu.memory_space<vmem>> -> memref<1x128xi32, #tpu.memory_space<vmem>>
      %dma_wait3A_286 = tpu.memref_squeeze %dma_wait3A_285 : memref<1x128xi32, #tpu.memory_space<vmem>> -> memref<128xi32, #tpu.memory_space<vmem>>
      %dma_wait3A_287 = arith.constant 0 : i32
      %dma_wait3A_288 = arith.constant 0 : i32
      %dma_wait3A_289 = tpu.memref_slice %arg2[%dma_wait3A_287, %dma_wait3A_288] : memref<102400x32xf32, #tpu.memory_space<hbm>> -> memref<102400x32xf32, #tpu.memory_space<hbm>>
      tpu.wait_indirect_dma semaphore(%arg10 : memref<!tpu.dma_semaphore, #tpu.memory_space<semaphore_mem>>) src(%dma_wait3A_289 : memref<102400x32xf32, #tpu.memory_space<hbm>>) dst(%dma_wait3A_283 : memref<128x32xf32, #tpu.memory_space<vmem>>)
      %dma_wait3A_290 = arith.constant 3 : i32
      %dma_wait3A_291 = arith.constant 384 : i32
      %dma_wait3A_292 = arith.constant 0 : i32
      %dma_wait3A_293 = tpu.memref_slice %arg8[%dma_wait3A_291, %dma_wait3A_292] : memref<1024x32xf32, #tpu.memory_space<vmem>> -> memref<128x32xf32, #tpu.memory_space<vmem>>
      %dma_wait3A_294 = arith.constant 0 : i32
      %dma_wait3A_295 = tpu.memref_slice %arg6[%dma_wait3A_290, %dma_wait3A_294] : memref<8x128xi32, #tpu.memory_space<vmem>> -> memref<1x128xi32, #tpu.memory_space<vmem>>
      %dma_wait3A_296 = tpu.memref_squeeze %dma_wait3A_295 : memref<1x128xi32, #tpu.memory_space<vmem>> -> memref<128xi32, #tpu.memory_space<vmem>>
      %dma_wait3A_297 = arith.constant 0 : i32
      %dma_wait3A_298 = arith.constant 0 : i32
      %dma_wait3A_299 = tpu.memref_slice %arg2[%dma_wait3A_297, %dma_wait3A_298] : memref<102400x32xf32, #tpu.memory_space<hbm>> -> memref<102400x32xf32, #tpu.memory_space<hbm>>
      tpu.wait_indirect_dma semaphore(%arg10 : memref<!tpu.dma_semaphore, #tpu.memory_space<semaphore_mem>>) src(%dma_wait3A_299 : memref<102400x32xf32, #tpu.memory_space<hbm>>) dst(%dma_wait3A_293 : memref<128x32xf32, #tpu.memory_space<vmem>>)
      %dma_wait3A_300 = arith.constant 4 : i32
      %dma_wait3A_301 = arith.constant 512 : i32
      %dma_wait3A_302 = arith.constant 0 : i32
      %dma_wait3A_303 = tpu.memref_slice %arg8[%dma_wait3A_301, %dma_wait3A_302] : memref<1024x32xf32, #tpu.memory_space<vmem>> -> memref<128x32xf32, #tpu.memory_space<vmem>>
      %dma_wait3A_304 = arith.constant 0 : i32
      %dma_wait3A_305 = tpu.memref_slice %arg6[%dma_wait3A_300, %dma_wait3A_304] : memref<8x128xi32, #tpu.memory_space<vmem>> -> memref<1x128xi32, #tpu.memory_space<vmem>>
      %dma_wait3A_306 = tpu.memref_squeeze %dma_wait3A_305 : memref<1x128xi32, #tpu.memory_space<vmem>> -> memref<128xi32, #tpu.memory_space<vmem>>
      %dma_wait3A_307 = arith.constant 0 : i32
      %dma_wait3A_308 = arith.constant 0 : i32
      %dma_wait3A_309 = tpu.memref_slice %arg2[%dma_wait3A_307, %dma_wait3A_308] : memref<102400x32xf32, #tpu.memory_space<hbm>> -> memref<102400x32xf32, #tpu.memory_space<hbm>>
      tpu.wait_indirect_dma semaphore(%arg10 : memref<!tpu.dma_semaphore, #tpu.memory_space<semaphore_mem>>) src(%dma_wait3A_309 : memref<102400x32xf32, #tpu.memory_space<hbm>>) dst(%dma_wait3A_303 : memref<128x32xf32, #tpu.memory_space<vmem>>)
      %dma_wait3A_310 = arith.constant 5 : i32
      %dma_wait3A_311 = arith.constant 640 : i32
      %dma_wait3A_312 = arith.constant 0 : i32
      %dma_wait3A_313 = tpu.memref_slice %arg8[%dma_wait3A_311, %dma_wait3A_312] : memref<1024x32xf32, #tpu.memory_space<vmem>> -> memref<128x32xf32, #tpu.memory_space<vmem>>
      %dma_wait3A_314 = arith.constant 0 : i32
      %dma_wait3A_315 = tpu.memref_slice %arg6[%dma_wait3A_310, %dma_wait3A_314] : memref<8x128xi32, #tpu.memory_space<vmem>> -> memref<1x128xi32, #tpu.memory_space<vmem>>
      %dma_wait3A_316 = tpu.memref_squeeze %dma_wait3A_315 : memref<1x128xi32, #tpu.memory_space<vmem>> -> memref<128xi32, #tpu.memory_space<vmem>>
      %dma_wait3A_317 = arith.constant 0 : i32
      %dma_wait3A_318 = arith.constant 0 : i32
      %dma_wait3A_319 = tpu.memref_slice %arg2[%dma_wait3A_317, %dma_wait3A_318] : memref<102400x32xf32, #tpu.memory_space<hbm>> -> memref<102400x32xf32, #tpu.memory_space<hbm>>
      tpu.wait_indirect_dma semaphore(%arg10 : memref<!tpu.dma_semaphore, #tpu.memory_space<semaphore_mem>>) src(%dma_wait3A_319 : memref<102400x32xf32, #tpu.memory_space<hbm>>) dst(%dma_wait3A_313 : memref<128x32xf32, #tpu.memory_space<vmem>>)
      %dma_wait3A_320 = arith.constant 6 : i32
      %dma_wait3A_321 = arith.constant 768 : i32
      %dma_wait3A_322 = arith.constant 0 : i32
      %dma_wait3A_323 = tpu.memref_slice %arg8[%dma_wait3A_321, %dma_wait3A_322] : memref<1024x32xf32, #tpu.memory_space<vmem>> -> memref<128x32xf32, #tpu.memory_space<vmem>>
      %dma_wait3A_324 = arith.constant 0 : i32
      %dma_wait3A_325 = tpu.memref_slice %arg6[%dma_wait3A_320, %dma_wait3A_324] : memref<8x128xi32, #tpu.memory_space<vmem>> -> memref<1x128xi32, #tpu.memory_space<vmem>>
      %dma_wait3A_326 = tpu.memref_squeeze %dma_wait3A_325 : memref<1x128xi32, #tpu.memory_space<vmem>> -> memref<128xi32, #tpu.memory_space<vmem>>
      %dma_wait3A_327 = arith.constant 0 : i32
      %dma_wait3A_328 = arith.constant 0 : i32
      %dma_wait3A_329 = tpu.memref_slice %arg2[%dma_wait3A_327, %dma_wait3A_328] : memref<102400x32xf32, #tpu.memory_space<hbm>> -> memref<102400x32xf32, #tpu.memory_space<hbm>>
      tpu.wait_indirect_dma semaphore(%arg10 : memref<!tpu.dma_semaphore, #tpu.memory_space<semaphore_mem>>) src(%dma_wait3A_329 : memref<102400x32xf32, #tpu.memory_space<hbm>>) dst(%dma_wait3A_323 : memref<128x32xf32, #tpu.memory_space<vmem>>)
      %dma_wait3A_330 = arith.constant 7 : i32
      %dma_wait3A_331 = arith.constant 896 : i32
      %dma_wait3A_332 = arith.constant 0 : i32
      %dma_wait3A_333 = tpu.memref_slice %arg8[%dma_wait3A_331, %dma_wait3A_332] : memref<1024x32xf32, #tpu.memory_space<vmem>> -> memref<128x32xf32, #tpu.memory_space<vmem>>
      %dma_wait3A_334 = arith.constant 0 : i32
      %dma_wait3A_335 = tpu.memref_slice %arg6[%dma_wait3A_330, %dma_wait3A_334] : memref<8x128xi32, #tpu.memory_space<vmem>> -> memref<1x128xi32, #tpu.memory_space<vmem>>
      %dma_wait3A_336 = tpu.memref_squeeze %dma_wait3A_335 : memref<1x128xi32, #tpu.memory_space<vmem>> -> memref<128xi32, #tpu.memory_space<vmem>>
      %dma_wait3A_337 = arith.constant 0 : i32
      %dma_wait3A_338 = arith.constant 0 : i32
      %dma_wait3A_339 = tpu.memref_slice %arg2[%dma_wait3A_337, %dma_wait3A_338] : memref<102400x32xf32, #tpu.memory_space<hbm>> -> memref<102400x32xf32, #tpu.memory_space<hbm>>
      tpu.wait_indirect_dma semaphore(%arg10 : memref<!tpu.dma_semaphore, #tpu.memory_space<semaphore_mem>>) src(%dma_wait3A_339 : memref<102400x32xf32, #tpu.memory_space<hbm>>) dst(%dma_wait3A_333 : memref<128x32xf32, #tpu.memory_space<vmem>>)
      %mul3A_340 = arith.constant 1024 : i32
      %mul3A_341 = arith.muli %add3A_10, %mul3A_340 : i32
      %add3A_342 = arith.addi %mul3A_0, %mul3A_341 : i32
      %dma_start3A_343 = arith.constant 0 : i32
      %dma_start3A_344 = tpu.memref_slice %arg4[%add3A_342, %dma_start3A_343] : memref<1638400x32xf32, #tpu.memory_space<hbm>> -> memref<1024x32xf32, #tpu.memory_space<hbm>>
      %dma_start3A_345 = arith.constant 0 : i32
      %dma_start3A_346 = tpu.memref_slice %arg4[%add3A_342, %dma_start3A_345] : memref<1638400x32xf32, #tpu.memory_space<hbm>> -> memref<1024x32xf32, #tpu.memory_space<hbm>>
      tpu.enqueue_dma source(%arg8 : memref<1024x32xf32, #tpu.memory_space<vmem>>) target(%dma_start3A_346 : memref<1024x32xf32, #tpu.memory_space<hbm>>) target_semaphore(%arg11 : memref<!tpu.dma_semaphore, #tpu.memory_space<semaphore_mem>>)
      %dma_wait3A_347 = arith.constant 0 : i32
      %dma_wait3A_348 = tpu.memref_slice %arg4[%add3A_255, %dma_wait3A_347] : memref<1638400x32xf32, #tpu.memory_space<hbm>> -> memref<1024x32xf32, #tpu.memory_space<hbm>>
      %dma_wait3A_349 = arith.constant 0 : i32
      %dma_wait3A_350 = tpu.memref_slice %arg4[%add3A_255, %dma_wait3A_349] : memref<1638400x32xf32, #tpu.memory_space<hbm>> -> memref<1024x32xf32, #tpu.memory_space<hbm>>
      tpu.wait_dma2 semaphore(%arg11 : memref<!tpu.dma_semaphore, #tpu.memory_space<semaphore_mem>>) src(%arg7 : memref<1024x32xf32, #tpu.memory_space<vmem>>) dst(%dma_wait3A_350 : memref<1024x32xf32, #tpu.memory_space<hbm>>)
      %dma_wait3A_351 = arith.constant 0 : i32
      %dma_wait3A_352 = tpu.memref_slice %arg4[%add3A_342, %dma_wait3A_351] : memref<1638400x32xf32, #tpu.memory_space<hbm>> -> memref<1024x32xf32, #tpu.memory_space<hbm>>
      %dma_wait3A_353 = arith.constant 0 : i32
      %dma_wait3A_354 = tpu.memref_slice %arg4[%add3A_342, %dma_wait3A_353] : memref<1638400x32xf32, #tpu.memory_space<hbm>> -> memref<1024x32xf32, #tpu.memory_space<hbm>>
      tpu.wait_dma2 semaphore(%arg11 : memref<!tpu.dma_semaphore, #tpu.memory_space<semaphore_mem>>) src(%arg8 : memref<1024x32xf32, #tpu.memory_space<vmem>>) dst(%dma_wait3A_354 : memref<1024x32xf32, #tpu.memory_space<hbm>>)
    }
    %scan3A_5 = arith.constant 25 : i32
    return
  }
}

module attributes {stable_mosaic.version = 14 : i64} {
  func.func @_prep_body(%arg0: i32, %arg1: memref<3x6400xf32, #tpu.memory_space<vmem>>, %arg2: memref<32x6400xf32, #tpu.memory_space<vmem>>, %arg3: memref<3x32xf32, #tpu.memory_space<vmem>>, %arg4: memref<32x32xf32, #tpu.memory_space<vmem>>, %arg5: memref<1x128xf32, #tpu.memory_space<vmem>>, %arg6: memref<1600x128xf32, #tpu.memory_space<vmem>>) attributes {dimension_semantics = [#tpu.dimension_semantics<arbitrary>], iteration_bounds = array<i64: 16>, scalar_prefetch = 0 : i64, scratch_operands = 0 : i64, tpu.core_type = #tpu.core_type<tc>, window_params = [{transform_indices = @transform_0, window_bounds = array<i64: 3, 6400>}, {transform_indices = @transform_1, window_bounds = array<i64: 32, 6400>}, {pipeline_mode = #tpu.pipeline_mode<synchronous>, transform_indices = @transform_2, window_bounds = array<i64: 3, 32>}, {pipeline_mode = #tpu.pipeline_mode<synchronous>, transform_indices = @transform_3, window_bounds = array<i64: 32, 32>}, {pipeline_mode = #tpu.pipeline_mode<synchronous>, transform_indices = @transform_4, window_bounds = array<i64: 1, 128>}, {transform_indices = @transform_5, window_bounds = array<i64: 1600, 128>}]} {
    %get3A = arith.constant 0 : index
    %get3A_0 = arith.constant 0 : index
    %get3A_1 = vector.load %arg1[%get3A, %get3A_0] : memref<3x6400xf32, #tpu.memory_space<vmem>>, vector<3x6400xf32>
    %get3A_2 = arith.constant 0 : index
    %get3A_3 = arith.constant 0 : index
    %get3A_4 = vector.load %arg3[%get3A_2, %get3A_3] : memref<3x32xf32, #tpu.memory_space<vmem>>, vector<3x32xf32>
    %dot_general3A = arith.constant dense<0.000000e+00> : vector<6400x32xf32>
    %dot_general3A_5 = tpu.matmul %get3A_1, %get3A_4, %dot_general3A {dimension_numbers = #tpu.dot_dimension_numbers<[0], [0], [1], [1], [0, 1, 1, 1], [], []>, transpose_lhs_hint = false} : vector<3x6400xf32>, vector<3x32xf32>, vector<6400x32xf32> -> vector<6400x32xf32>
    %get3A_6 = arith.constant 0 : index
    %get3A_7 = arith.constant 0 : index
    %get3A_8 = vector.load %arg2[%get3A_6, %get3A_7] : memref<32x6400xf32, #tpu.memory_space<vmem>>, vector<32x6400xf32>
    %get3A_9 = arith.constant 0 : index
    %get3A_10 = arith.constant 0 : index
    %get3A_11 = vector.load %arg4[%get3A_9, %get3A_10] : memref<32x32xf32, #tpu.memory_space<vmem>>, vector<32x32xf32>
    %dot_general3A_12 = arith.constant dense<0.000000e+00> : vector<6400x32xf32>
    %dot_general3A_13 = tpu.matmul %get3A_8, %get3A_11, %dot_general3A_12 {dimension_numbers = #tpu.dot_dimension_numbers<[0], [0], [1], [1], [0, 1, 1, 1], [], []>, transpose_lhs_hint = false} : vector<32x6400xf32>, vector<32x32xf32>, vector<6400x32xf32> -> vector<6400x32xf32>
    %add3A = arith.addf %dot_general3A_5, %dot_general3A_13 : vector<6400x32xf32>
    %slice3A = vector.extract_strided_slice %add3A {offsets = [0, 0], sizes = [1600, 32], strides = [1, 1]} : vector<6400x32xf32> to vector<1600x32xf32>
    %slice3A_14 = vector.extract_strided_slice %add3A {offsets = [1600, 0], sizes = [1600, 32], strides = [1, 1]} : vector<6400x32xf32> to vector<1600x32xf32>
    %slice3A_15 = vector.extract_strided_slice %add3A {offsets = [3200, 0], sizes = [1600, 32], strides = [1, 1]} : vector<6400x32xf32> to vector<1600x32xf32>
    %slice3A_16 = vector.extract_strided_slice %add3A {offsets = [4800, 0], sizes = [1600, 32], strides = [1, 1]} : vector<6400x32xf32> to vector<1600x32xf32>
    %concatenate3A = tpu.concatenate %slice3A, %slice3A_14, %slice3A_15, %slice3A_16 in 1 : vector<1600x32xf32>, vector<1600x32xf32>, vector<1600x32xf32>, vector<1600x32xf32> -> vector<1600x128xf32>
    %get3A_17 = arith.constant 0 : index
    %get3A_18 = arith.constant 0 : index
    %get3A_19 = vector.load %arg5[%get3A_17, %get3A_18] : memref<1x128xf32, #tpu.memory_space<vmem>>, vector<1x128xf32>
    %add3A_20 = vector.broadcast %get3A_19 : vector<1x128xf32> to vector<1600x128xf32>
    %add3A_21 = arith.addf %concatenate3A, %add3A_20 : vector<1600x128xf32>
    %swap3A = arith.constant 0 : index
    %swap3A_22 = arith.constant 0 : index
    %swap3A_23 = vector.load %arg6[%swap3A, %swap3A_22] : memref<1600x128xf32, #tpu.memory_space<vmem>>, vector<1600x128xf32>
    tpu.vector_store %arg6[%swap3A, %swap3A_22], %add3A_21 {strides = array<i32>} : memref<1600x128xf32, #tpu.memory_space<vmem>>, vector<1600x128xf32>,
    return
  }
  func.func @transform_0(%arg0: i32) -> (i32, i32) {
    %c0_i32 = arith.constant 0 : i32
    %c0_i32_0 = arith.constant 0 : i32
    return %c0_i32, %arg0 : i32, i32
  }
  func.func @transform_1(%arg0: i32) -> (i32, i32) {
    %c0_i32 = arith.constant 0 : i32
    %c0_i32_0 = arith.constant 0 : i32
    return %c0_i32, %arg0 : i32, i32
  }
  func.func @transform_2(%arg0: i32) -> (i32, i32) {
    %c0_i32 = arith.constant 0 : i32
    %c0_i32_0 = arith.constant 0 : i32
    %c0_i32_1 = arith.constant 0 : i32
    return %c0_i32, %c0_i32_0 : i32, i32
  }
  func.func @transform_3(%arg0: i32) -> (i32, i32) {
    %c0_i32 = arith.constant 0 : i32
    %c0_i32_0 = arith.constant 0 : i32
    %c0_i32_1 = arith.constant 0 : i32
    return %c0_i32, %c0_i32_0 : i32, i32
  }
  func.func @transform_4(%arg0: i32) -> (i32, i32) {
    %c0_i32 = arith.constant 0 : i32
    %c0_i32_0 = arith.constant 0 : i32
    %c0_i32_1 = arith.constant 0 : i32
    return %c0_i32, %c0_i32_0 : i32, i32
  }
  func.func @transform_5(%arg0: i32) -> (i32, i32) {
    %c0_i32 = arith.constant 0 : i32
    %c0_i32_0 = arith.constant 0 : i32
    return %arg0, %c0_i32 : i32, i32
  }
}

module attributes {stable_mosaic.version = 14 : i64} {
  func.func @_mlp_body(%arg0: i32, %arg1: memref<16x1024x128xf32, #tpu.memory_space<vmem>>, %arg2: memref<3x4096xf32, #tpu.memory_space<vmem>>, %arg3: memref<32x4096xf32, #tpu.memory_space<vmem>>, %arg4: memref<3x32xf32, #tpu.memory_space<vmem>>, %arg5: memref<32x32xf32, #tpu.memory_space<vmem>>, %arg6: memref<128x128xf32, #tpu.memory_space<vmem>>, %arg7: memref<1x128xf32, #tpu.memory_space<vmem>>, %arg8: memref<4096x64xf32, #tpu.memory_space<vmem>>) attributes {dimension_semantics = [#tpu.dimension_semantics<arbitrary>], iteration_bounds = array<i64: 25>, scalar_prefetch = 0 : i64, scratch_operands = 0 : i64, tpu.core_type = #tpu.core_type<tc>, window_params = [{transform_indices = @transform_0, window_bounds = array<i64: 16, 1024, 128>}, {transform_indices = @transform_1, window_bounds = array<i64: 3, 4096>}, {transform_indices = @transform_2, window_bounds = array<i64: 32, 4096>}, {pipeline_mode = #tpu.pipeline_mode<synchronous>, transform_indices = @transform_3, window_bounds = array<i64: 3, 32>}, {pipeline_mode = #tpu.pipeline_mode<synchronous>, transform_indices = @transform_4, window_bounds = array<i64: 32, 32>}, {pipeline_mode = #tpu.pipeline_mode<synchronous>, transform_indices = @transform_5, window_bounds = array<i64: 128, 128>}, {pipeline_mode = #tpu.pipeline_mode<synchronous>, transform_indices = @transform_6, window_bounds = array<i64: 1, 128>}, {transform_indices = @transform_7, window_bounds = array<i64: 4096, 64>}]} {
    %get3A = arith.constant 0 : index
    %get3A_0 = arith.constant 0 : index
    %get3A_1 = vector.load %arg2[%get3A, %get3A_0] : memref<3x4096xf32, #tpu.memory_space<vmem>>, vector<3x4096xf32>
    %get3A_2 = arith.constant 0 : index
    %get3A_3 = arith.constant 0 : index
    %get3A_4 = vector.load %arg4[%get3A_2, %get3A_3] : memref<3x32xf32, #tpu.memory_space<vmem>>, vector<3x32xf32>
    %dot_general3A = arith.constant dense<0.000000e+00> : vector<4096x32xf32>
    %dot_general3A_5 = tpu.matmul %get3A_1, %get3A_4, %dot_general3A {dimension_numbers = #tpu.dot_dimension_numbers<[0], [0], [1], [1], [0, 1, 1, 1], [], []>, transpose_lhs_hint = false} : vector<3x4096xf32>, vector<3x32xf32>, vector<4096x32xf32> -> vector<4096x32xf32>
    %mul3A = arith.constant 4096 : i32
    %mul3A_6 = arith.muli %arg0, %mul3A : i32
    %iota3A = tpu.iota {dimensions = array<i32: 0>} : vector<4096x32xi32>
    %add3A = vector.broadcast %mul3A_6 : i32 to vector<4096x32xi32>
    %add3A_7 = arith.addi %add3A, %iota3A : vector<4096x32xi32>
    %lt3A = arith.constant 100000 : i32
    %lt3A_8 = vector.broadcast %lt3A : i32 to vector<4096x32xi32>
    %lt3A_9 = arith.cmpi slt, %add3A_7, %lt3A_8 : vector<4096x32xi32>
    %jit3A = arith.constant 0.000000e+00 : f32
    %broadcast_in_dim3A = vector.broadcast %jit3A : f32 to vector<4096x32xf32>
    %select_n3A = arith.select %lt3A_9, %dot_general3A_5, %broadcast_in_dim3A : vector<4096x32xi1>, vector<4096x32xf32>
    %slice3A = vector.extract_strided_slice %select_n3A {offsets = [0, 0], sizes = [1024, 32], strides = [1, 1]} : vector<4096x32xf32> to vector<1024x32xf32>
    %slice3A_10 = vector.extract_strided_slice %select_n3A {offsets = [1024, 0], sizes = [1024, 32], strides = [1, 1]} : vector<4096x32xf32> to vector<1024x32xf32>
    %slice3A_11 = vector.extract_strided_slice %select_n3A {offsets = [2048, 0], sizes = [1024, 32], strides = [1, 1]} : vector<4096x32xf32> to vector<1024x32xf32>
    %slice3A_12 = vector.extract_strided_slice %select_n3A {offsets = [3072, 0], sizes = [1024, 32], strides = [1, 1]} : vector<4096x32xf32> to vector<1024x32xf32>
    %concatenate3A = tpu.concatenate %slice3A, %slice3A_10, %slice3A_11, %slice3A_12 in 1 : vector<1024x32xf32>, vector<1024x32xf32>, vector<1024x32xf32>, vector<1024x32xf32> -> vector<1024x128xf32>
    %get3A_13 = arith.constant 0 : index
    %get3A_14 = arith.constant 0 : index
    %get3A_15 = vector.load %arg6[%get3A_13, %get3A_14] : memref<128x128xf32, #tpu.memory_space<vmem>>, vector<128x128xf32>
    %get3A_16 = arith.constant 0 : index
    %get3A_17 = arith.constant 0 : index
    %get3A_18 = vector.load %arg7[%get3A_16, %get3A_17] : memref<1x128xf32, #tpu.memory_space<vmem>>, vector<1x128xf32>
    %get3A_19 = arith.constant 0 : index
    %get3A_20 = arith.constant 0 : index
    %get3A_21 = arith.constant 0 : index
    %get3A_22 = vector.load %arg1[%get3A_19, %get3A_20, %get3A_21] : memref<16x1024x128xf32, #tpu.memory_space<vmem>>, vector<1x1024x128xf32>
    %get3A_23 = vector.shape_cast %get3A_22 : vector<1x1024x128xf32> to vector<1024x128xf32>
    %sub3A = arith.subf %get3A_23, %concatenate3A : vector<1024x128xf32>
    %max3A = arith.constant 0.000000e+00 : f32
    %max3A_24 = vector.broadcast %max3A : f32 to vector<1024x128xf32>
    %max3A_25 = arith.maximumf %sub3A, %max3A_24 : vector<1024x128xf32>
    %dot_general3A_26 = arith.constant dense<0.000000e+00> : vector<1024x128xf32>
    %dot_general3A_27 = tpu.matmul %max3A_25, %get3A_15, %dot_general3A_26 {dimension_numbers = #tpu.dot_dimension_numbers<[1], [0], [0], [1], [0, 0, 1, 1], [], []>, transpose_lhs_hint = false} : vector<1024x128xf32>, vector<128x128xf32>, vector<1024x128xf32> -> vector<1024x128xf32>
    %add3A_28 = vector.broadcast %get3A_18 : vector<1x128xf32> to vector<1024x128xf32>
    %add3A_29 = arith.addf %dot_general3A_27, %add3A_28 : vector<1024x128xf32>
    %max3A_30 = arith.constant 0.000000e+00 : f32
    %max3A_31 = vector.broadcast %max3A_30 : f32 to vector<1024x128xf32>
    %max3A_32 = arith.maximumf %add3A_29, %max3A_31 : vector<1024x128xf32>
    %get3A_33 = arith.constant 1 : index
    %get3A_34 = arith.constant 0 : index
    %get3A_35 = arith.constant 0 : index
    %get3A_36 = vector.load %arg1[%get3A_33, %get3A_34, %get3A_35] : memref<16x1024x128xf32, #tpu.memory_space<vmem>>, vector<1x1024x128xf32>
    %get3A_37 = vector.shape_cast %get3A_36 : vector<1x1024x128xf32> to vector<1024x128xf32>
    %sub3A_38 = arith.subf %get3A_37, %concatenate3A : vector<1024x128xf32>
    %max3A_39 = arith.constant 0.000000e+00 : f32
    %max3A_40 = vector.broadcast %max3A_39 : f32 to vector<1024x128xf32>
    %max3A_41 = arith.maximumf %sub3A_38, %max3A_40 : vector<1024x128xf32>
    %dot_general3A_42 = arith.constant dense<0.000000e+00> : vector<1024x128xf32>
    %dot_general3A_43 = tpu.matmul %max3A_41, %get3A_15, %dot_general3A_42 {dimension_numbers = #tpu.dot_dimension_numbers<[1], [0], [0], [1], [0, 0, 1, 1], [], []>, transpose_lhs_hint = false} : vector<1024x128xf32>, vector<128x128xf32>, vector<1024x128xf32> -> vector<1024x128xf32>
    %add3A_44 = vector.broadcast %get3A_18 : vector<1x128xf32> to vector<1024x128xf32>
    %add3A_45 = arith.addf %dot_general3A_43, %add3A_44 : vector<1024x128xf32>
    %max3A_46 = arith.constant 0.000000e+00 : f32
    %max3A_47 = vector.broadcast %max3A_46 : f32 to vector<1024x128xf32>
    %max3A_48 = arith.maximumf %add3A_45, %max3A_47 : vector<1024x128xf32>
    %max3A_49 = arith.maximumf %max3A_32, %max3A_48 : vector<1024x128xf32>
    %get3A_50 = arith.constant 2 : index
    %get3A_51 = arith.constant 0 : index
    %get3A_52 = arith.constant 0 : index
    %get3A_53 = vector.load %arg1[%get3A_50, %get3A_51, %get3A_52] : memref<16x1024x128xf32, #tpu.memory_space<vmem>>, vector<1x1024x128xf32>
    %get3A_54 = vector.shape_cast %get3A_53 : vector<1x1024x128xf32> to vector<1024x128xf32>
    %sub3A_55 = arith.subf %get3A_54, %concatenate3A : vector<1024x128xf32>
    %max3A_56 = arith.constant 0.000000e+00 : f32
    %max3A_57 = vector.broadcast %max3A_56 : f32 to vector<1024x128xf32>
    %max3A_58 = arith.maximumf %sub3A_55, %max3A_57 : vector<1024x128xf32>
    %dot_general3A_59 = arith.constant dense<0.000000e+00> : vector<1024x128xf32>
    %dot_general3A_60 = tpu.matmul %max3A_58, %get3A_15, %dot_general3A_59 {dimension_numbers = #tpu.dot_dimension_numbers<[1], [0], [0], [1], [0, 0, 1, 1], [], []>, transpose_lhs_hint = false} : vector<1024x128xf32>, vector<128x128xf32>, vector<1024x128xf32> -> vector<1024x128xf32>
    %add3A_61 = vector.broadcast %get3A_18 : vector<1x128xf32> to vector<1024x128xf32>
    %add3A_62 = arith.addf %dot_general3A_60, %add3A_61 : vector<1024x128xf32>
    %max3A_63 = arith.constant 0.000000e+00 : f32
    %max3A_64 = vector.broadcast %max3A_63 : f32 to vector<1024x128xf32>
    %max3A_65 = arith.maximumf %add3A_62, %max3A_64 : vector<1024x128xf32>
    %max3A_66 = arith.maximumf %max3A_49, %max3A_65 : vector<1024x128xf32>
    %get3A_67 = arith.constant 3 : index
    %get3A_68 = arith.constant 0 : index
    %get3A_69 = arith.constant 0 : index
    %get3A_70 = vector.load %arg1[%get3A_67, %get3A_68, %get3A_69] : memref<16x1024x128xf32, #tpu.memory_space<vmem>>, vector<1x1024x128xf32>
    %get3A_71 = vector.shape_cast %get3A_70 : vector<1x1024x128xf32> to vector<1024x128xf32>
    %sub3A_72 = arith.subf %get3A_71, %concatenate3A : vector<1024x128xf32>
    %max3A_73 = arith.constant 0.000000e+00 : f32
    %max3A_74 = vector.broadcast %max3A_73 : f32 to vector<1024x128xf32>
    %max3A_75 = arith.maximumf %sub3A_72, %max3A_74 : vector<1024x128xf32>
    %dot_general3A_76 = arith.constant dense<0.000000e+00> : vector<1024x128xf32>
    %dot_general3A_77 = tpu.matmul %max3A_75, %get3A_15, %dot_general3A_76 {dimension_numbers = #tpu.dot_dimension_numbers<[1], [0], [0], [1], [0, 0, 1, 1], [], []>, transpose_lhs_hint = false} : vector<1024x128xf32>, vector<128x128xf32>, vector<1024x128xf32> -> vector<1024x128xf32>
    %add3A_78 = vector.broadcast %get3A_18 : vector<1x128xf32> to vector<1024x128xf32>
    %add3A_79 = arith.addf %dot_general3A_77, %add3A_78 : vector<1024x128xf32>
    %max3A_80 = arith.constant 0.000000e+00 : f32
    %max3A_81 = vector.broadcast %max3A_80 : f32 to vector<1024x128xf32>
    %max3A_82 = arith.maximumf %add3A_79, %max3A_81 : vector<1024x128xf32>
    %max3A_83 = arith.maximumf %max3A_66, %max3A_82 : vector<1024x128xf32>
    %get3A_84 = arith.constant 4 : index
    %get3A_85 = arith.constant 0 : index
    %get3A_86 = arith.constant 0 : index
    %get3A_87 = vector.load %arg1[%get3A_84, %get3A_85, %get3A_86] : memref<16x1024x128xf32, #tpu.memory_space<vmem>>, vector<1x1024x128xf32>
    %get3A_88 = vector.shape_cast %get3A_87 : vector<1x1024x128xf32> to vector<1024x128xf32>
    %sub3A_89 = arith.subf %get3A_88, %concatenate3A : vector<1024x128xf32>
    %max3A_90 = arith.constant 0.000000e+00 : f32
    %max3A_91 = vector.broadcast %max3A_90 : f32 to vector<1024x128xf32>
    %max3A_92 = arith.maximumf %sub3A_89, %max3A_91 : vector<1024x128xf32>
    %dot_general3A_93 = arith.constant dense<0.000000e+00> : vector<1024x128xf32>
    %dot_general3A_94 = tpu.matmul %max3A_92, %get3A_15, %dot_general3A_93 {dimension_numbers = #tpu.dot_dimension_numbers<[1], [0], [0], [1], [0, 0, 1, 1], [], []>, transpose_lhs_hint = false} : vector<1024x128xf32>, vector<128x128xf32>, vector<1024x128xf32> -> vector<1024x128xf32>
    %add3A_95 = vector.broadcast %get3A_18 : vector<1x128xf32> to vector<1024x128xf32>
    %add3A_96 = arith.addf %dot_general3A_94, %add3A_95 : vector<1024x128xf32>
    %max3A_97 = arith.constant 0.000000e+00 : f32
    %max3A_98 = vector.broadcast %max3A_97 : f32 to vector<1024x128xf32>
    %max3A_99 = arith.maximumf %add3A_96, %max3A_98 : vector<1024x128xf32>
    %max3A_100 = arith.maximumf %max3A_83, %max3A_99 : vector<1024x128xf32>
    %get3A_101 = arith.constant 5 : index
    %get3A_102 = arith.constant 0 : index
    %get3A_103 = arith.constant 0 : index
    %get3A_104 = vector.load %arg1[%get3A_101, %get3A_102, %get3A_103] : memref<16x1024x128xf32, #tpu.memory_space<vmem>>, vector<1x1024x128xf32>
    %get3A_105 = vector.shape_cast %get3A_104 : vector<1x1024x128xf32> to vector<1024x128xf32>
    %sub3A_106 = arith.subf %get3A_105, %concatenate3A : vector<1024x128xf32>
    %max3A_107 = arith.constant 0.000000e+00 : f32
    %max3A_108 = vector.broadcast %max3A_107 : f32 to vector<1024x128xf32>
    %max3A_109 = arith.maximumf %sub3A_106, %max3A_108 : vector<1024x128xf32>
    %dot_general3A_110 = arith.constant dense<0.000000e+00> : vector<1024x128xf32>
    %dot_general3A_111 = tpu.matmul %max3A_109, %get3A_15, %dot_general3A_110 {dimension_numbers = #tpu.dot_dimension_numbers<[1], [0], [0], [1], [0, 0, 1, 1], [], []>, transpose_lhs_hint = false} : vector<1024x128xf32>, vector<128x128xf32>, vector<1024x128xf32> -> vector<1024x128xf32>
    %add3A_112 = vector.broadcast %get3A_18 : vector<1x128xf32> to vector<1024x128xf32>
    %add3A_113 = arith.addf %dot_general3A_111, %add3A_112 : vector<1024x128xf32>
    %max3A_114 = arith.constant 0.000000e+00 : f32
    %max3A_115 = vector.broadcast %max3A_114 : f32 to vector<1024x128xf32>
    %max3A_116 = arith.maximumf %add3A_113, %max3A_115 : vector<1024x128xf32>
    %max3A_117 = arith.maximumf %max3A_100, %max3A_116 : vector<1024x128xf32>
    %get3A_118 = arith.constant 6 : index
    %get3A_119 = arith.constant 0 : index
    %get3A_120 = arith.constant 0 : index
    %get3A_121 = vector.load %arg1[%get3A_118, %get3A_119, %get3A_120] : memref<16x1024x128xf32, #tpu.memory_space<vmem>>, vector<1x1024x128xf32>
    %get3A_122 = vector.shape_cast %get3A_121 : vector<1x1024x128xf32> to vector<1024x128xf32>
    %sub3A_123 = arith.subf %get3A_122, %concatenate3A : vector<1024x128xf32>
    %max3A_124 = arith.constant 0.000000e+00 : f32
    %max3A_125 = vector.broadcast %max3A_124 : f32 to vector<1024x128xf32>
    %max3A_126 = arith.maximumf %sub3A_123, %max3A_125 : vector<1024x128xf32>
    %dot_general3A_127 = arith.constant dense<0.000000e+00> : vector<1024x128xf32>
    %dot_general3A_128 = tpu.matmul %max3A_126, %get3A_15, %dot_general3A_127 {dimension_numbers = #tpu.dot_dimension_numbers<[1], [0], [0], [1], [0, 0, 1, 1], [], []>, transpose_lhs_hint = false} : vector<1024x128xf32>, vector<128x128xf32>, vector<1024x128xf32> -> vector<1024x128xf32>
    %add3A_129 = vector.broadcast %get3A_18 : vector<1x128xf32> to vector<1024x128xf32>
    %add3A_130 = arith.addf %dot_general3A_128, %add3A_129 : vector<1024x128xf32>
    %max3A_131 = arith.constant 0.000000e+00 : f32
    %max3A_132 = vector.broadcast %max3A_131 : f32 to vector<1024x128xf32>
    %max3A_133 = arith.maximumf %add3A_130, %max3A_132 : vector<1024x128xf32>
    %max3A_134 = arith.maximumf %max3A_117, %max3A_133 : vector<1024x128xf32>
    %get3A_135 = arith.constant 7 : index
    %get3A_136 = arith.constant 0 : index
    %get3A_137 = arith.constant 0 : index
    %get3A_138 = vector.load %arg1[%get3A_135, %get3A_136, %get3A_137] : memref<16x1024x128xf32, #tpu.memory_space<vmem>>, vector<1x1024x128xf32>
    %get3A_139 = vector.shape_cast %get3A_138 : vector<1x1024x128xf32> to vector<1024x128xf32>
    %sub3A_140 = arith.subf %get3A_139, %concatenate3A : vector<1024x128xf32>
    %max3A_141 = arith.constant 0.000000e+00 : f32
    %max3A_142 = vector.broadcast %max3A_141 : f32 to vector<1024x128xf32>
    %max3A_143 = arith.maximumf %sub3A_140, %max3A_142 : vector<1024x128xf32>
    %dot_general3A_144 = arith.constant dense<0.000000e+00> : vector<1024x128xf32>
    %dot_general3A_145 = tpu.matmul %max3A_143, %get3A_15, %dot_general3A_144 {dimension_numbers = #tpu.dot_dimension_numbers<[1], [0], [0], [1], [0, 0, 1, 1], [], []>, transpose_lhs_hint = false} : vector<1024x128xf32>, vector<128x128xf32>, vector<1024x128xf32> -> vector<1024x128xf32>
    %add3A_146 = vector.broadcast %get3A_18 : vector<1x128xf32> to vector<1024x128xf32>
    %add3A_147 = arith.addf %dot_general3A_145, %add3A_146 : vector<1024x128xf32>
    %max3A_148 = arith.constant 0.000000e+00 : f32
    %max3A_149 = vector.broadcast %max3A_148 : f32 to vector<1024x128xf32>
    %max3A_150 = arith.maximumf %add3A_147, %max3A_149 : vector<1024x128xf32>
    %max3A_151 = arith.maximumf %max3A_134, %max3A_150 : vector<1024x128xf32>
    %get3A_152 = arith.constant 8 : index
    %get3A_153 = arith.constant 0 : index
    %get3A_154 = arith.constant 0 : index
    %get3A_155 = vector.load %arg1[%get3A_152, %get3A_153, %get3A_154] : memref<16x1024x128xf32, #tpu.memory_space<vmem>>, vector<1x1024x128xf32>
    %get3A_156 = vector.shape_cast %get3A_155 : vector<1x1024x128xf32> to vector<1024x128xf32>
    %sub3A_157 = arith.subf %get3A_156, %concatenate3A : vector<1024x128xf32>
    %max3A_158 = arith.constant 0.000000e+00 : f32
    %max3A_159 = vector.broadcast %max3A_158 : f32 to vector<1024x128xf32>
    %max3A_160 = arith.maximumf %sub3A_157, %max3A_159 : vector<1024x128xf32>
    %dot_general3A_161 = arith.constant dense<0.000000e+00> : vector<1024x128xf32>
    %dot_general3A_162 = tpu.matmul %max3A_160, %get3A_15, %dot_general3A_161 {dimension_numbers = #tpu.dot_dimension_numbers<[1], [0], [0], [1], [0, 0, 1, 1], [], []>, transpose_lhs_hint = false} : vector<1024x128xf32>, vector<128x128xf32>, vector<1024x128xf32> -> vector<1024x128xf32>
    %add3A_163 = vector.broadcast %get3A_18 : vector<1x128xf32> to vector<1024x128xf32>
    %add3A_164 = arith.addf %dot_general3A_162, %add3A_163 : vector<1024x128xf32>
    %max3A_165 = arith.constant 0.000000e+00 : f32
    %max3A_166 = vector.broadcast %max3A_165 : f32 to vector<1024x128xf32>
    %max3A_167 = arith.maximumf %add3A_164, %max3A_166 : vector<1024x128xf32>
    %max3A_168 = arith.maximumf %max3A_151, %max3A_167 : vector<1024x128xf32>
    %get3A_169 = arith.constant 9 : index
    %get3A_170 = arith.constant 0 : index
    %get3A_171 = arith.constant 0 : index
    %get3A_172 = vector.load %arg1[%get3A_169, %get3A_170, %get3A_171] : memref<16x1024x128xf32, #tpu.memory_space<vmem>>, vector<1x1024x128xf32>
    %get3A_173 = vector.shape_cast %get3A_172 : vector<1x1024x128xf32> to vector<1024x128xf32>
    %sub3A_174 = arith.subf %get3A_173, %concatenate3A : vector<1024x128xf32>
    %max3A_175 = arith.constant 0.000000e+00 : f32
    %max3A_176 = vector.broadcast %max3A_175 : f32 to vector<1024x128xf32>
    %max3A_177 = arith.maximumf %sub3A_174, %max3A_176 : vector<1024x128xf32>
    %dot_general3A_178 = arith.constant dense<0.000000e+00> : vector<1024x128xf32>
    %dot_general3A_179 = tpu.matmul %max3A_177, %get3A_15, %dot_general3A_178 {dimension_numbers = #tpu.dot_dimension_numbers<[1], [0], [0], [1], [0, 0, 1, 1], [], []>, transpose_lhs_hint = false} : vector<1024x128xf32>, vector<128x128xf32>, vector<1024x128xf32> -> vector<1024x128xf32>
    %add3A_180 = vector.broadcast %get3A_18 : vector<1x128xf32> to vector<1024x128xf32>
    %add3A_181 = arith.addf %dot_general3A_179, %add3A_180 : vector<1024x128xf32>
    %max3A_182 = arith.constant 0.000000e+00 : f32
    %max3A_183 = vector.broadcast %max3A_182 : f32 to vector<1024x128xf32>
    %max3A_184 = arith.maximumf %add3A_181, %max3A_183 : vector<1024x128xf32>
    %max3A_185 = arith.maximumf %max3A_168, %max3A_184 : vector<1024x128xf32>
    %get3A_186 = arith.constant 10 : index
    %get3A_187 = arith.constant 0 : index
    %get3A_188 = arith.constant 0 : index
    %get3A_189 = vector.load %arg1[%get3A_186, %get3A_187, %get3A_188] : memref<16x1024x128xf32, #tpu.memory_space<vmem>>, vector<1x1024x128xf32>
    %get3A_190 = vector.shape_cast %get3A_189 : vector<1x1024x128xf32> to vector<1024x128xf32>
    %sub3A_191 = arith.subf %get3A_190, %concatenate3A : vector<1024x128xf32>
    %max3A_192 = arith.constant 0.000000e+00 : f32
    %max3A_193 = vector.broadcast %max3A_192 : f32 to vector<1024x128xf32>
    %max3A_194 = arith.maximumf %sub3A_191, %max3A_193 : vector<1024x128xf32>
    %dot_general3A_195 = arith.constant dense<0.000000e+00> : vector<1024x128xf32>
    %dot_general3A_196 = tpu.matmul %max3A_194, %get3A_15, %dot_general3A_195 {dimension_numbers = #tpu.dot_dimension_numbers<[1], [0], [0], [1], [0, 0, 1, 1], [], []>, transpose_lhs_hint = false} : vector<1024x128xf32>, vector<128x128xf32>, vector<1024x128xf32> -> vector<1024x128xf32>
    %add3A_197 = vector.broadcast %get3A_18 : vector<1x128xf32> to vector<1024x128xf32>
    %add3A_198 = arith.addf %dot_general3A_196, %add3A_197 : vector<1024x128xf32>
    %max3A_199 = arith.constant 0.000000e+00 : f32
    %max3A_200 = vector.broadcast %max3A_199 : f32 to vector<1024x128xf32>
    %max3A_201 = arith.maximumf %add3A_198, %max3A_200 : vector<1024x128xf32>
    %max3A_202 = arith.maximumf %max3A_185, %max3A_201 : vector<1024x128xf32>
    %get3A_203 = arith.constant 11 : index
    %get3A_204 = arith.constant 0 : index
    %get3A_205 = arith.constant 0 : index
    %get3A_206 = vector.load %arg1[%get3A_203, %get3A_204, %get3A_205] : memref<16x1024x128xf32, #tpu.memory_space<vmem>>, vector<1x1024x128xf32>
    %get3A_207 = vector.shape_cast %get3A_206 : vector<1x1024x128xf32> to vector<1024x128xf32>
    %sub3A_208 = arith.subf %get3A_207, %concatenate3A : vector<1024x128xf32>
    %max3A_209 = arith.constant 0.000000e+00 : f32
    %max3A_210 = vector.broadcast %max3A_209 : f32 to vector<1024x128xf32>
    %max3A_211 = arith.maximumf %sub3A_208, %max3A_210 : vector<1024x128xf32>
    %dot_general3A_212 = arith.constant dense<0.000000e+00> : vector<1024x128xf32>
    %dot_general3A_213 = tpu.matmul %max3A_211, %get3A_15, %dot_general3A_212 {dimension_numbers = #tpu.dot_dimension_numbers<[1], [0], [0], [1], [0, 0, 1, 1], [], []>, transpose_lhs_hint = false} : vector<1024x128xf32>, vector<128x128xf32>, vector<1024x128xf32> -> vector<1024x128xf32>
    %add3A_214 = vector.broadcast %get3A_18 : vector<1x128xf32> to vector<1024x128xf32>
    %add3A_215 = arith.addf %dot_general3A_213, %add3A_214 : vector<1024x128xf32>
    %max3A_216 = arith.constant 0.000000e+00 : f32
    %max3A_217 = vector.broadcast %max3A_216 : f32 to vector<1024x128xf32>
    %max3A_218 = arith.maximumf %add3A_215, %max3A_217 : vector<1024x128xf32>
    %max3A_219 = arith.maximumf %max3A_202, %max3A_218 : vector<1024x128xf32>
    %get3A_220 = arith.constant 12 : index
    %get3A_221 = arith.constant 0 : index
    %get3A_222 = arith.constant 0 : index
    %get3A_223 = vector.load %arg1[%get3A_220, %get3A_221, %get3A_222] : memref<16x1024x128xf32, #tpu.memory_space<vmem>>, vector<1x1024x128xf32>
    %get3A_224 = vector.shape_cast %get3A_223 : vector<1x1024x128xf32> to vector<1024x128xf32>
    %sub3A_225 = arith.subf %get3A_224, %concatenate3A : vector<1024x128xf32>
    %max3A_226 = arith.constant 0.000000e+00 : f32
    %max3A_227 = vector.broadcast %max3A_226 : f32 to vector<1024x128xf32>
    %max3A_228 = arith.maximumf %sub3A_225, %max3A_227 : vector<1024x128xf32>
    %dot_general3A_229 = arith.constant dense<0.000000e+00> : vector<1024x128xf32>
    %dot_general3A_230 = tpu.matmul %max3A_228, %get3A_15, %dot_general3A_229 {dimension_numbers = #tpu.dot_dimension_numbers<[1], [0], [0], [1], [0, 0, 1, 1], [], []>, transpose_lhs_hint = false} : vector<1024x128xf32>, vector<128x128xf32>, vector<1024x128xf32> -> vector<1024x128xf32>
    %add3A_231 = vector.broadcast %get3A_18 : vector<1x128xf32> to vector<1024x128xf32>
    %add3A_232 = arith.addf %dot_general3A_230, %add3A_231 : vector<1024x128xf32>
    %max3A_233 = arith.constant 0.000000e+00 : f32
    %max3A_234 = vector.broadcast %max3A_233 : f32 to vector<1024x128xf32>
    %max3A_235 = arith.maximumf %add3A_232, %max3A_234 : vector<1024x128xf32>
    %max3A_236 = arith.maximumf %max3A_219, %max3A_235 : vector<1024x128xf32>
    %get3A_237 = arith.constant 13 : index
    %get3A_238 = arith.constant 0 : index
    %get3A_239 = arith.constant 0 : index
    %get3A_240 = vector.load %arg1[%get3A_237, %get3A_238, %get3A_239] : memref<16x1024x128xf32, #tpu.memory_space<vmem>>, vector<1x1024x128xf32>
    %get3A_241 = vector.shape_cast %get3A_240 : vector<1x1024x128xf32> to vector<1024x128xf32>
    %sub3A_242 = arith.subf %get3A_241, %concatenate3A : vector<1024x128xf32>
    %max3A_243 = arith.constant 0.000000e+00 : f32
    %max3A_244 = vector.broadcast %max3A_243 : f32 to vector<1024x128xf32>
    %max3A_245 = arith.maximumf %sub3A_242, %max3A_244 : vector<1024x128xf32>
    %dot_general3A_246 = arith.constant dense<0.000000e+00> : vector<1024x128xf32>
    %dot_general3A_247 = tpu.matmul %max3A_245, %get3A_15, %dot_general3A_246 {dimension_numbers = #tpu.dot_dimension_numbers<[1], [0], [0], [1], [0, 0, 1, 1], [], []>, transpose_lhs_hint = false} : vector<1024x128xf32>, vector<128x128xf32>, vector<1024x128xf32> -> vector<1024x128xf32>
    %add3A_248 = vector.broadcast %get3A_18 : vector<1x128xf32> to vector<1024x128xf32>
    %add3A_249 = arith.addf %dot_general3A_247, %add3A_248 : vector<1024x128xf32>
    %max3A_250 = arith.constant 0.000000e+00 : f32
    %max3A_251 = vector.broadcast %max3A_250 : f32 to vector<1024x128xf32>
    %max3A_252 = arith.maximumf %add3A_249, %max3A_251 : vector<1024x128xf32>
    %max3A_253 = arith.maximumf %max3A_236, %max3A_252 : vector<1024x128xf32>
    %get3A_254 = arith.constant 14 : index
    %get3A_255 = arith.constant 0 : index
    %get3A_256 = arith.constant 0 : index
    %get3A_257 = vector.load %arg1[%get3A_254, %get3A_255, %get3A_256] : memref<16x1024x128xf32, #tpu.memory_space<vmem>>, vector<1x1024x128xf32>
    %get3A_258 = vector.shape_cast %get3A_257 : vector<1x1024x128xf32> to vector<1024x128xf32>
    %sub3A_259 = arith.subf %get3A_258, %concatenate3A : vector<1024x128xf32>
    %max3A_260 = arith.constant 0.000000e+00 : f32
    %max3A_261 = vector.broadcast %max3A_260 : f32 to vector<1024x128xf32>
    %max3A_262 = arith.maximumf %sub3A_259, %max3A_261 : vector<1024x128xf32>
    %dot_general3A_263 = arith.constant dense<0.000000e+00> : vector<1024x128xf32>
    %dot_general3A_264 = tpu.matmul %max3A_262, %get3A_15, %dot_general3A_263 {dimension_numbers = #tpu.dot_dimension_numbers<[1], [0], [0], [1], [0, 0, 1, 1], [], []>, transpose_lhs_hint = false} : vector<1024x128xf32>, vector<128x128xf32>, vector<1024x128xf32> -> vector<1024x128xf32>
    %add3A_265 = vector.broadcast %get3A_18 : vector<1x128xf32> to vector<1024x128xf32>
    %add3A_266 = arith.addf %dot_general3A_264, %add3A_265 : vector<1024x128xf32>
    %max3A_267 = arith.constant 0.000000e+00 : f32
    %max3A_268 = vector.broadcast %max3A_267 : f32 to vector<1024x128xf32>
    %max3A_269 = arith.maximumf %add3A_266, %max3A_268 : vector<1024x128xf32>
    %max3A_270 = arith.maximumf %max3A_253, %max3A_269 : vector<1024x128xf32>
    %get3A_271 = arith.constant 15 : index
    %get3A_272 = arith.constant 0 : index
    %get3A_273 = arith.constant 0 : index
    %get3A_274 = vector.load %arg1[%get3A_271, %get3A_272, %get3A_273] : memref<16x1024x128xf32, #tpu.memory_space<vmem>>, vector<1x1024x128xf32>
    %get3A_275 = vector.shape_cast %get3A_274 : vector<1x1024x128xf32> to vector<1024x128xf32>
    %sub3A_276 = arith.subf %get3A_275, %concatenate3A : vector<1024x128xf32>
    %max3A_277 = arith.constant 0.000000e+00 : f32
    %max3A_278 = vector.broadcast %max3A_277 : f32 to vector<1024x128xf32>
    %max3A_279 = arith.maximumf %sub3A_276, %max3A_278 : vector<1024x128xf32>
    %dot_general3A_280 = arith.constant dense<0.000000e+00> : vector<1024x128xf32>
    %dot_general3A_281 = tpu.matmul %max3A_279, %get3A_15, %dot_general3A_280 {dimension_numbers = #tpu.dot_dimension_numbers<[1], [0], [0], [1], [0, 0, 1, 1], [], []>, transpose_lhs_hint = false} : vector<1024x128xf32>, vector<128x128xf32>, vector<1024x128xf32> -> vector<1024x128xf32>
    %add3A_282 = vector.broadcast %get3A_18 : vector<1x128xf32> to vector<1024x128xf32>
    %add3A_283 = arith.addf %dot_general3A_281, %add3A_282 : vector<1024x128xf32>
    %max3A_284 = arith.constant 0.000000e+00 : f32
    %max3A_285 = vector.broadcast %max3A_284 : f32 to vector<1024x128xf32>
    %max3A_286 = arith.maximumf %add3A_283, %max3A_285 : vector<1024x128xf32>
    %max3A_287 = arith.maximumf %max3A_270, %max3A_286 : vector<1024x128xf32>
    %slice3A_288 = vector.extract_strided_slice %max3A_287 {offsets = [0, 0], sizes = [1024, 32], strides = [1, 1]} : vector<1024x128xf32> to vector<1024x32xf32>
    %slice3A_289 = vector.extract_strided_slice %max3A_287 {offsets = [0, 32], sizes = [1024, 32], strides = [1, 1]} : vector<1024x128xf32> to vector<1024x32xf32>
    %slice3A_290 = vector.extract_strided_slice %max3A_287 {offsets = [0, 64], sizes = [1024, 32], strides = [1, 1]} : vector<1024x128xf32> to vector<1024x32xf32>
    %slice3A_291 = vector.extract_strided_slice %max3A_287 {offsets = [0, 96], sizes = [1024, 32], strides = [1, 1]} : vector<1024x128xf32> to vector<1024x32xf32>
    %concatenate3A_292 = tpu.concatenate %slice3A_288, %slice3A_289, %slice3A_290, %slice3A_291 in 0 : vector<1024x32xf32>, vector<1024x32xf32>, vector<1024x32xf32>, vector<1024x32xf32> -> vector<4096x32xf32>
    %get3A_293 = arith.constant 0 : index
    %get3A_294 = arith.constant 0 : index
    %get3A_295 = vector.load %arg3[%get3A_293, %get3A_294] : memref<32x4096xf32, #tpu.memory_space<vmem>>, vector<32x4096xf32>
    %get3A_296 = arith.constant 0 : index
    %get3A_297 = arith.constant 0 : index
    %get3A_298 = vector.load %arg5[%get3A_296, %get3A_297] : memref<32x32xf32, #tpu.memory_space<vmem>>, vector<32x32xf32>
    %dot_general3A_299 = arith.constant dense<0.000000e+00> : vector<4096x32xf32>
    %dot_general3A_300 = tpu.matmul %get3A_295, %get3A_298, %dot_general3A_299 {dimension_numbers = #tpu.dot_dimension_numbers<[0], [0], [1], [1], [0, 1, 1, 1], [], []>, transpose_lhs_hint = false} : vector<32x4096xf32>, vector<32x32xf32>, vector<4096x32xf32> -> vector<4096x32xf32>
    %concatenate3A_301 = tpu.concatenate %dot_general3A_300, %concatenate3A_292 in 1 : vector<4096x32xf32>, vector<4096x32xf32> -> vector<4096x64xf32>
    %swap3A = arith.constant 0 : index
    %swap3A_302 = arith.constant 0 : index
    %swap3A_303 = vector.load %arg8[%swap3A, %swap3A_302] : memref<4096x64xf32, #tpu.memory_space<vmem>>, vector<4096x64xf32>
    tpu.vector_store %arg8[%swap3A, %swap3A_302], %concatenate3A_301 {strides = array<i32>} : memref<4096x64xf32, #tpu.memory_space<vmem>>, vector<4096x64xf32>,
    return
  }
  func.func @transform_0(%arg0: i32) -> (i32, i32, i32) {
    %c0_i32 = arith.constant 0 : i32
    %c0_i32_0 = arith.constant 0 : i32
    %c0_i32_1 = arith.constant 0 : i32
    return %c0_i32, %arg0, %c0_i32_0 : i32, i32, i32
  }
  func.func @transform_1(%arg0: i32) -> (i32, i32) {
    %c0_i32 = arith.constant 0 : i32
    %c0_i32_0 = arith.constant 0 : i32
    return %c0_i32, %arg0 : i32, i32
  }
  func.func @transform_2(%arg0: i32) -> (i32, i32) {
    %c0_i32 = arith.constant 0 : i32
    %c0_i32_0 = arith.constant 0 : i32
    return %c0_i32, %arg0 : i32, i32
  }
  func.func @transform_3(%arg0: i32) -> (i32, i32) {
    %c0_i32 = arith.constant 0 : i32
    %c0_i32_0 = arith.constant 0 : i32
    %c0_i32_1 = arith.constant 0 : i32
    return %c0_i32, %c0_i32_0 : i32, i32
  }
  func.func @transform_4(%arg0: i32) -> (i32, i32) {
    %c0_i32 = arith.constant 0 : i32
    %c0_i32_0 = arith.constant 0 : i32
    %c0_i32_1 = arith.constant 0 : i32
    return %c0_i32, %c0_i32_0 : i32, i32
  }
  func.func @transform_5(%arg0: i32) -> (i32, i32) {
    %c0_i32 = arith.constant 0 : i32
    %c0_i32_0 = arith.constant 0 : i32
    %c0_i32_1 = arith.constant 0 : i32
    return %c0_i32, %c0_i32_0 : i32, i32
  }
  func.func @transform_6(%arg0: i32) -> (i32, i32) {
    %c0_i32 = arith.constant 0 : i32
    %c0_i32_0 = arith.constant 0 : i32
    %c0_i32_1 = arith.constant 0 : i32
    return %c0_i32, %c0_i32_0 : i32, i32
  }
  func.func @transform_7(%arg0: i32) -> (i32, i32) {
    %c0_i32 = arith.constant 0 : i32
    %c0_i32_0 = arith.constant 0 : i32
    return %arg0, %c0_i32 : i32, i32
  }
}

</mosaic_0001>

<sc_bundles>
// kernel: kernel.5.cloned.1.call-start
scs
__scs_entry_jumppad:
0x0: {  	(pc) =	sbr.rel $0x88, $3  }
0x1: {  	(tag) =	ssettag $0x0;
	lr =	simm.s32 $0x1  }
0x2: {  	[smem:$0x3F98] =	sst lr;
	_ =	strace $0xD0000000  }
0x3: {  	_ = 	snop  }
0x4: {  	_ = 	snop  }
0x5: {  	_ = 	snop  }
0x6: {  	_ = 	snop  }
0x7: {  	_ = 	snop  }
__scs_overlays_trampoline_lowered:
0x8: {  	[smem:$0x3FA7] =	sst s0  }
0x9: {  	[smem:$0x3FA8] =	sst s1  }
0xa: {  	[smem:$0x3FA9] =	sst s2  }
0xb: {  	[smem:$0x3FAA] =	sst s3  }
0xc: {  	[smem:$0x3FAB] =	sst s4  }
0xd: {  	[smem:$0x3FAC] =	sst s5  }
0xe: {  	[smem:$0x3FAD] =	sst s6  }
0xf: {  	[smem:$0x3FAE] =	sst s7  }
0x10: {  	[smem:$0x3FAF] =	sst s8  }
0x11: {  	[smem:$0x3FB0] =	sst s9;
	s0 =	simm.s32 @!p0 $0x0  }
0x12: {  	s1 =	sld [smem:$0x3F96];
	s0 =	simm.s32 @p0 $0x1  }
0x13: {  	[smem:$0x3FB1] =	sst s0;
	s0 =	simm.s32 @!p1 $0x0  }
0x14: {  	s2 =	sld [smem:$0x3F95];
	s0 =	simm.s32 @p1 $0x1  }
0x15: {  	[smem:$0x3FB2] =	sst s0;
	s0 =	simm.s32 @!p2 $0x0  }
0x16: {  	s3 =	sld [smem:$0x3FDB];
	s0 =	simm.s32 @p2 $0x1  }
0x17: {  	s4 =	simm.s32 $0x1BF5;
	[smem:$0x3FB4] =	sst s0  }
0x18: {  	s0 =	sld [smem:$0x3F97];
	_ =	swait.ge [sflag:s4], $0x0  }
0x19: {  	s7 =	sld [smem:$0x3F98]  }
0x1a: {  	s8 =	sadd.s32 $0xFFFFE003, lr  }
0x1b: {  	s9 =	sadd.s32 $0xFFFFFEF7, lr;
	s5 =	simm.s32 $0xFFFFFFFF;
	p2 =	slt.u32 s8, $0xFFFFF086  }
0x1c: {  	p1 =	slt.u32 s9, $0xF7A;
	s5 =	simm.s32 @!p2 $0x0  }
0x1d: {  	s5 =	simm.s32 @p1 $0x1;
	p0 =	seq.s32 s7, s2  }
0x1e: {  	s7 =	smul.u32 @!p0 $0xF7A, s2;
	p2 =	seq.s32 @!p0 s5, $0x0  }
0x1f: {  	s9 =	smul.u32 $0xF7A, s1;
	s8 =	simm.s32 @!p0 $0x1BF5;
	p2 =	por !p2, p0  }
0x20: {  	[sflag:s8] =	ssyncset.s32 @!p0 $0xFFFFF086;
	s6 =	sadd.s32 @!p0 s3, s7;
	s7 =	simm.s32 @!p0 $0x108  }
0x21: {  	s3 =	sadd.s32 s3, s9;
	s6 =	sadd.s32 @!p0 $0x88, s6;
	s7 =	simm.s32 @p2 $0x1082  }
0x22: {  	[simem:s7], [sflag:s8] =	dma.local @!p0 [hbm:s6], $0xF7A  }
0x23: {  	s9 =	sor.u32 $0xD0000000, s2;
	s6 =	simm.s32 $0x108;
	_ =	swait.ge @!p0 [sflag:s8], $0x0  }
0x24: {  	s3 =	sadd.s32 $0x88, s3;
	s6 =	simm.s32 @!p1 $0x1082;
	[sflag:s4] =	ssyncset.s32 $0xFFFFF086  }
0x25: {  	[simem:s6], [sflag:s4] =	dma.local [hbm:s3], $0xF7A  }
0x26: {  	[smem:$0x3F98] =	sst s1;
	(tag) =	ssettag s2;
	_ =	strace s9  }
0x27: {  	s1 =	sld [smem:$0x3FA8]  }
0x28: {  	s2 =	sld [smem:$0x3FA9]  }
0x29: {  	s4 =	sld [smem:$0x3FAB]  }
0x2a: {  	p0 =	seq.s32 s5, $0x0;
	s5 =	sld [smem:$0x3FAC]  }
0x2b: {  	s6 =	sld [smem:$0x3FAD]  }
0x2c: {  	s7 =	sld [smem:$0x3FAE]  }
0x2d: {  	s3 =	simm.s32 $0x108;
	s8 =	sld [smem:$0x3FAF]  }
0x2e: {  	s3 =	simm.s32 @!p0 $0x1082;
	s9 =	sld [smem:$0x3FB0]  }
0x2f: {  	lr =	sadd.s32 s0, s3;
	s0 =	sld [smem:$0x3FA7]  }
0x30: {  	s3 =	sld [smem:$0x3FAA]  }
0x31: {  	[smem:$0x3FB3] =	sst s10  }
0x32: {  	s10 =	sld [smem:$0x3FB1];
	_ =	sdelay $0x3  }
0x33: {  	p0 =	seq.s32 s10, $0x1;
	s10 =	sld [smem:$0x3FB3];
	_ =	sdelay $0x3  }
0x34: {  	[smem:$0x3FB3] =	sst s10  }
0x35: {  	s10 =	sld [smem:$0x3FB2];
	_ =	sdelay $0x3  }
0x36: {  	p1 =	seq.s32 s10, $0x1;
	s10 =	sld [smem:$0x3FB3];
	_ =	sdelay $0x3  }
0x37: {  	[smem:$0x3FB3] =	sst s10  }
0x38: {  	s10 =	sld [smem:$0x3FB4]  }
0x39: {  	_ = 	snop;
	(pc) =	sbr.ind lr, $3  }
0x3a: {  	_ = 	snop  }
0x3b: {  	_ = 	snop  }
0x3c: {  	p2 =	seq.s32 s10, $0x1;
	s10 =	sld [smem:$0x3FB3]  }
0x3d: {  	_ =	shalt  }
0x3e: {  	_ =	shalt  }
0x3f: {  	_ =	shalt  }
0x40: {  	_ =	shalt  }
0x41: {  	_ =	shalt  }
0x42: {  	_ =	shalt  }
0x43: {  	_ =	shalt  }
0x44: {  	_ =	shalt  }
0x45: {  	_ =	shalt  }
0x46: {  	_ =	shalt  }
0x47: {  	_ =	shalt  }
0x48: {  	_ =	shalt  }
0x49: {  	_ =	shalt  }
0x4a: {  	_ =	shalt  }
0x4b: {  	_ =	shalt  }
0x4c: {  	_ =	shalt  }
0x4d: {  	_ =	shalt  }
0x4e: {  	_ =	shalt  }
0x4f: {  	_ =	shalt  }
0x50: {  	_ =	shalt  }
0x51: {  	_ =	shalt  }
0x52: {  	_ =	shalt  }
0x53: {  	_ =	shalt  }
0x54: {  	_ =	shalt  }
0x55: {  	_ =	shalt  }
0x56: {  	_ =	shalt  }
0x57: {  	_ =	shalt  }
0x58: {  	_ =	shalt  }
0x59: {  	_ =	shalt  }
0x5a: {  	_ =	shalt  }
0x5b: {  	_ =	shalt  }
0x5c: {  	_ =	shalt  }
0x5d: {  	_ =	shalt  }
0x5e: {  	_ =	shalt  }
0x5f: {  	_ =	shalt  }
0x60: {  	_ =	shalt  }
0x61: {  	_ =	shalt  }
0x62: {  	_ =	shalt  }
0x63: {  	_ =	shalt  }
0x64: {  	_ =	shalt  }
0x65: {  	_ =	shalt  }
0x66: {  	_ =	shalt  }
0x67: {  	_ =	shalt  }
0x68: {  	_ =	shalt  }
0x69: {  	_ =	shalt  }
0x6a: {  	_ =	shalt  }
0x6b: {  	_ =	shalt  }
0x6c: {  	_ =	shalt  }
0x6d: {  	_ =	shalt  }
0x6e: {  	_ =	shalt  }
0x6f: {  	_ =	shalt  }
0x70: {  	_ =	shalt  }
0x71: {  	_ =	shalt  }
0x72: {  	_ =	shalt  }
0x73: {  	_ =	shalt  }
0x74: {  	_ =	shalt  }
0x75: {  	_ =	shalt  }
0x76: {  	_ =	shalt  }
0x77: {  	_ =	shalt  }
0x78: {  	_ =	shalt  }
0x79: {  	_ =	shalt  }
0x7a: {  	_ =	shalt  }
0x7b: {  	_ =	shalt  }
0x7c: {  	_ =	shalt  }
0x7d: {  	_ =	shalt  }
0x7e: {  	_ =	shalt  }
0x7f: {  	_ =	shalt  }
0x80: {  	_ =	shalt  }
0x81: {  	_ =	shalt  }
0x82: {  	_ =	shalt  }
0x83: {  	_ =	shalt  }
0x84: {  	_ =	shalt  }
0x85: {  	_ =	shalt  }
0x86: {  	_ =	shalt  }
0x87: {  	_ =	shalt  }
.Lfunc_end0:
.L_simem_size_0:
called_computation_lowered:
.L_overlay_start_0:
0x88: {  	s2 =	sld [smem:$0x3FD9]  }
0x89: {  	s3 =	sld [smem:$0x3FFE];
	_ =	sdelay $0x1  }
0x8a: {  	s1 =	srdreg.scid  }
0x8b: {  	s0 =	sand.u32 $0x1, s1  }
0x8c: {  	s17 =	sshll.u32 s0, $0xA;
	s2 =	sadd.s32 s3, s2  }
0x8d: {  	s2 =	sadd.s32 s2, s17  }
0x8e: {  	[smem:$0x3FBF] =	sst s2  }
0x8f: {  	_ = 	snop  }
0x90: {  	s2 =	sld [smem:$0x3FD0];
	(tm) =	ssettm $0x1  }
0x91: {  	s18 =	sld [smem:$0x3FFB];
	_ =	sdelay $0x3  }
0x92: {  	_ =	strace s18  }
0x93: {  	s3 =	sld [smem:$0x3FFC];
	_ =	sdelay $0x3  }
0x94: {  	_ =	strace s3  }
0x95: {  	s3 =	sld [smem:$0x3FFD];
	_ =	sdelay $0x3  }
0x96: {  	_ =	strace s3  }
0x97: {  	_ =	strace $0x8FFFFFFF  }
0x98: {  	s19 =	sld [smem:$0x3FDB];
	_ =	sdelay $0x1  }
0x99: {  	s4 =	simm.s32 $_scs_section_size  }
0x9a: {  	s5 =	simm.s32 $_size__tile_overlayer_lowered;
	s6 =	simm.s32 $_tile_overlayer_lowered  }
0x9b: {  	s22 =	simm.s32 $0x1BFF;
	s21 =	sshll.u32 s6, $0x1;
	s3 =	sadd.s32 s4, s19  }
0x9c: {  	s7 =	simm.s32 $0x0;
	s20 =	sshll.u32 s5, $0x1;
	s5 =	sadd.s32 s21, s3  }
0x9d: {  	[timem:s7], [sflag:s22] =	dma.local [hbm:s5], s20  }
0x9e: {  	_ =	swait.ge [sflag:s22], s20  }
0x9f: {  	s4 =	ssub.s32 $0x0, s20;
	[sflag:s22] =	ssyncset.done $0x0  }
0xa0: {  	[sflag:s22] =	ssyncadd.s32 s4;
	_ =	sdelay $0x1  }
0xa1: {  	s23 =	simm.s32 $0x1B8B  }
0xa2: {  	_ =	swait.ge [sflag:s23], $0x1  }
0xa3: {  	[sflag:s23] =	ssyncset.done $0x0  }
0xa4: {  	s25 =	simm.s32 $0x1B8E;
	s24 =	sld [smem:$0x3FFE];
	[sflag:s23] =	ssyncadd.s32 $0xFFFFFFFF  }
0xa5: {  	s26 =	simm.s32 $execute0_lowered;
	[smem:$0x3FD2] =	sst s25  }
0xa6: {  	s5 =	sshll.u32 s26, $0x1;
	_ =	strace $0x80000046;
	[dreg:$0x1] =	wrdreg $0xFFFFFFFF  }
0xa7: {  	s28 =	simm.s32 $_size_execute0_lowered;
	s3 =	sadd.s32 s3, s5;
	[dreg:$0x0] =	wrdreg $0x0  }
0xa8: {  	s5 =	sshll.u32 s28, $0x1;
	[dreg:$0x2] =	wrdreg s3  }
0xa9: {  	[dreg:$0x3] =	wrdreg s5  }
0xaa: {  	[dreg:$0x4] =	wrdreg $0xC0  }
0xab: {  	_ =	task [dreg:s7], $0x5FFFF  }
0xac: {  	[dreg:$0x1] =	wrdreg $0xFFFFFFFF  }
0xad: {  	[dreg:$0x0] =	wrdreg $0x60  }
0xae: {  	[dreg:$0x2] =	wrdreg s2  }
0xaf: {  	[dreg:$0x3] =	wrdreg s24  }
0xb0: {  	[dreg:$0x4] =	wrdreg $0x9  }
0xb1: {  	_ =	task.clear_ibuf [dreg:s7], $0x5FFFF;
	_ =	strace $0x90000046  }
0xb2: {  	s29 =	simm.s32 $0x9;
	_ =	strace $0x80000048  }
0xb3: {  	_ =	swait.ge [sflag:s29], $0x1  }
0xb4: {  	[sflag:s29] =	ssyncadd.s32 $0xFFFFFFFF  }
0xb5: {  	_ =	strace $0x90000048  }
0xb6: {  	_ =	sfence  }
0xb7: {  	s30 =	sld [smem:$0x0];
	_ =	sdelay $0x2  }
0xb8: {  	s31 =	sshll.u32 s1, $0xD;
	s1 =	sshrl.u32 s1, $0x2  }
0xb9: {  	s3 =	sand.u32 $0x4000, s31;
	s1 =	sadd.s32 s1, s30  }
0xba: {  	s0 =	sor.u32 s3, s0;
	s1 =	sshll.u32 s1, $0x11  }
0xbb: {  	s0 =	sor.u32 s1, s0  }
0xbc: {  	s0 =	sadd.s32 $0x8F2B, s0  }
0xbd: {  	[sflag:s0] =	ssyncadd.remote.s32 $0x1  }
0xbe: {  	_ =	sfence.sel $0xFFFF  }
0xbf: {  	[dreg:$0x0] =	wrdreg $0xFFFFFFFF;
	(pc) =	sbr.abs _section_cstart, $3  }
0xc0: {  	[dreg:$0x1] =	wrdreg $0xFFFFFFFF  }
0xc1: {  	_ =	task.clear_ibuf [dreg:s7], $0x2FFFF;
	_ =	strace $0x9FFFFFFF  }
0xc2: {  	(tm) =	ssettm $0x7FFFFFFF  }
0xc3: {  	_ =	shalt  }
tec
execute0_lowered:
.L_overlay_start_1:
0x0: {  	(tag) =	ssettag $0x1  }
0x1: {  	s2 =	rddreg [dreg:$0x0]  }
0x2: {  	s0 =	srdreg.scid;
	s1 =	rddreg [dreg:$0x1];
	s3 =	simm.s32 $0x0  }
0x3: {  	s7 =	stileid.u32;
	s13 =	simm.s32 $0x1800;
	[smem:$0x7FF] =	sst s3  }
0x4: {  	s15 =	simm.s32 $0x100;
	_ =	strace $0x80000047;
	[dreg:$0x5] =	wrdreg s13  }
0x5: {  	s16 =	simm.s32 $0x2800;
	s18 =	simm.s32 $0x180;
	[dreg:$0x6] =	wrdreg s15  }
0x6: {  	s19 =	simm.s32 $0x3800;
	s20 =	simm.s32 $0x200;
	[dreg:$0x7] =	wrdreg s16  }
0x7: {  	s21 =	simm.s32 $0x4800;
	s23 =	simm.s32 $0x280;
	[dreg:$0x8] =	wrdreg s18  }
0x8: {  	s24 =	simm.s32 $0x5800;
	s25 =	simm.s32 $0x300;
	[dreg:$0x9] =	wrdreg s19  }
0x9: {  	s26 =	simm.s32 $0x6800;
	s29 =	simm.s32 $0x380;
	[dreg:$0xa] =	wrdreg s20  }
0xa: {  	s30 =	simm.s32 $0x7800;
	s8 =	simm.s32 $0x80;
	[dreg:$0xb] =	wrdreg s21  }
0xb: {  	s9 =	simm.s32 $0x800;
	s10 =	simm.s32 $0x400;
	[dreg:$0xc] =	wrdreg s23  }
0xc: {  	s31 =	simm.s32 $0x480;
	s28 =	simm.s32 $0x3;
	[dreg:$0xd] =	wrdreg s24  }
0xd: {  	s0 =	sand.u32 $0x1, s0;
	s4 =	smul.u32 $0x19000, s7;
	[dreg:$0xe] =	wrdreg s25  }
0xe: {  	s11 =	sadd.s32 $0x192400, s1;
	s1 =	sadd.s32 $0x1C4400, s1;
	[dreg:$0xf] =	wrdreg s26  }
0xf: {  	s17 =	smul.u32 $0x320000, s7;
	s7 =	simm.s32 $0x4;
	[dreg:$0x10] =	wrdreg s29  }
0x10: {  	s5 =	sshll.u32 s0, $0xA;
	s12 =	ssub.s32 $0x2, s0;
	[dreg:$0x11] =	wrdreg s30  }
0x11: {  	s0 =	sshll.u32 s0, $0xF;
	[dreg:$0x12] =	wrdreg s31;
	s13 =	simm.s32 $0xA800  }
0x12: {  	s15 =	simm.s32 $0xB800;
	s16 =	simm.s32 $0x600;
	s18 =	simm.s32 $0xC800  }
0x13: {  	s19 =	simm.s32 $0x680;
	s20 =	simm.s32 $0xD800;
	s21 =	simm.s32 $0x700  }
0x14: {  	s23 =	simm.s32 $0x780;
	s24 =	simm.s32 $0xF800;
	s25 =	simm.s32 $0x1  }
0x15: {  	s26 =	simm.s32 $0x2;
	s4 =	sor.u32 s5, s4;
	s14 =	sshrl.u32 s12, $0x1  }
0x16: {  	s0 =	sor.u32 s0, s17;
	s6 =	sshrl.u32 s4, $0x3;
	s4 =	sor.u32 $0x800, s4  }
0x17: {  	s5 =	ssub.s32 s12, s14;
	s22 =	sshrl.u32 s0, $0x3;
	s0 =	sor.u32 $0x10000, s0  }
0x18: {  	s12 =	simm.s32 $0x500;
	s14 =	simm.s32 $0x580;
	s6 =	sadd.s32 s6, s11  }
0x19: {  	s4 =	sshrl.u32 s4, $0x3;
	s5 =	smax.u32 s5, $0x1;
	[dreg:$0x3] =	wrdreg s6  }
0x1a: {  	s0 =	sshrl.u32 s0, $0x3;
	s4 =	sadd.s32 s4, s11;
	[dreg:$0x13] =	wrdreg s5  }
0x1b: {  	s5 =	sadd.s32 s22, s1;
	s0 =	sadd.s32 s0, s1;
	[dreg:$0x4] =	wrdreg s4  }
0x1c: {  	s11 =	simm.s32 $0x8800;
	s22 =	simm.s32 $0xE800;
	[dreg:$0x14] =	wrdreg s5  }
0x1d: {  	s1 =	simm.s32 $0x0;
	[dreg:$0x15] =	wrdreg s0;
	s5 =	simm.s32 $0x9800  }
.LBB2_1:
0x1e: {  	s17 =	rddreg [dreg:$0x3]  }
0x1f: {  	[dreg:$0x16] =	wrdreg s1;
	s1 =	sadd.s32 $0x0, s17  }
0x20: {  	[tilespmem:s3], [sflag:$0x4] =	stream.linear.gather [hbm4b:s1+s3], $0x400, $0x38;
	[tilespmem:$0x10800] =	vst v63  }
0x21: {  	_ =	swait.ge [sflag:s7], $0x400  }
0x22: {  	s29 =	rddreg [dreg:$0x6]  }
0x23: {  	s4 =	rddreg [dreg:$0x5]  }
0x24: {  	[sflag:s7] =	ssyncset.done $0x0;
	s6 =	rddreg [dreg:$0x7]  }
0x25: {  	s30 =	rddreg [dreg:$0x9];
	[sflag:s7] =	ssyncadd.s32 $0xFFFFFC00  }
0x26: {  	[tilespmem:s9], [sflag:$0x1] =	stream.indirect.gather [hbm4b:s2+s8], $0x20, s3, s8, $0xb8;
	[tilespmem:$0x10800] =	vst v63  }
0x27: {  	s0 =	rddreg [dreg:$0x8]  }
0x28: {  	[tilespmem:s4], [sflag:$0x1] =	stream.indirect.gather [hbm4b:s2+s8], $0x20, s8, s8, $0xb8;
	[tilespmem:$0x10800] =	vst v63  }
0x29: {  	s17 =	rddreg [dreg:$0xb]  }
0x2a: {  	[tilespmem:s6], [sflag:$0x1] =	stream.indirect.gather [hbm4b:s2+s8], $0x20, s29, s8, $0xb8;
	[tilespmem:$0x10800] =	vst v63  }
0x2b: {  	s29 =	rddreg [dreg:$0xa]  }
0x2c: {  	[tilespmem:s30], [sflag:$0x1] =	stream.indirect.gather [hbm4b:s2+s8], $0x20, s0, s8, $0xb8;
	[tilespmem:$0x10800] =	vst v63  }
0x2d: {  	s0 =	rddreg [dreg:$0xd]  }
0x2e: {  	s30 =	rddreg [dreg:$0xc]  }
0x2f: {  	[tilespmem:s17], [sflag:$0x1] =	stream.indirect.gather [hbm4b:s2+s8], $0x20, s29, s8, $0xb8;
	[tilespmem:$0x10800] =	vst v63  }
0x30: {  	s17 =	rddreg [dreg:$0xf]  }
0x31: {  	s29 =	rddreg [dreg:$0xe]  }
0x32: {  	[tilespmem:s0], [sflag:$0x1] =	stream.indirect.gather [hbm4b:s2+s8], $0x20, s30, s8, $0xb8;
	[tilespmem:$0x10800] =	vst v63  }
0x33: {  	s0 =	rddreg [dreg:$0x11]  }
0x34: {  	s30 =	rddreg [dreg:$0x10]  }
0x35: {  	[tilespmem:s17], [sflag:$0x1] =	stream.indirect.gather [hbm4b:s2+s8], $0x20, s29, s8, $0xb8;
	[tilespmem:$0x10800] =	vst v63  }
0x36: {  	s17 =	rddreg [dreg:$0x4]  }
0x37: {  	[tilespmem:s0], [sflag:$0x1] =	stream.indirect.gather [hbm4b:s2+s8], $0x20, s30, s8, $0xb8;
	[tilespmem:$0x10800] =	vst v63  }
0x38: {  	s1 =	sadd.s32 $0x0, s17  }
0x39: {  	[tilespmem:s10], [sflag:$0x4] =	stream.linear.gather [hbm4b:s1+s3], $0x400, $0x38;
	[tilespmem:$0x10800] =	vst v63  }
0x3a: {  	_ =	swait.ge [sflag:s7], $0x400  }
0x3b: {  	[sflag:s7] =	ssyncset.done $0x0  }
0x3c: {  	[sflag:s7] =	ssyncadd.s32 $0xFFFFFC00  }
0x3d: {  	[tilespmem:s11], [sflag:$0x2] =	stream.indirect.gather [hbm4b:s2+s8], $0x20, s10, s8, $0xb8;
	[tilespmem:$0x10800] =	vst v63  }
0x3e: {  	s29 =	rddreg [dreg:$0x12]  }
0x3f: {  	[tilespmem:s5], [sflag:$0x2] =	stream.indirect.gather [hbm4b:s2+s8], $0x20, s29, s8, $0xb8;
	[tilespmem:$0x10800] =	vst v63  }
0x40: {  	_ = 	snop  }
0x41: {  	[tilespmem:s13], [sflag:$0x2] =	stream.indirect.gather [hbm4b:s2+s8], $0x20, s12, s8, $0xb8;
	[tilespmem:$0x10800] =	vst v63  }
0x42: {  	_ = 	snop  }
0x43: {  	[tilespmem:s15], [sflag:$0x2] =	stream.indirect.gather [hbm4b:s2+s8], $0x20, s14, s8, $0xb8;
	[tilespmem:$0x10800] =	vst v63  }
0x44: {  	_ = 	snop  }
0x45: {  	[tilespmem:s18], [sflag:$0x2] =	stream.indirect.gather [hbm4b:s2+s8], $0x20, s16, s8, $0xb8;
	[tilespmem:$0x10800] =	vst v63  }
0x46: {  	_ = 	snop  }
0x47: {  	[tilespmem:s20], [sflag:$0x2] =	stream.indirect.gather [hbm4b:s2+s8], $0x20, s19, s8, $0xb8;
	[tilespmem:$0x10800] =	vst v63  }
0x48: {  	_ = 	snop  }
0x49: {  	[tilespmem:s22], [sflag:$0x2] =	stream.indirect.gather [hbm4b:s2+s8], $0x20, s21, s8, $0xb8;
	[tilespmem:$0x10800] =	vst v63  }
0x4a: {  	_ = 	snop  }
0x4b: {  	[tilespmem:s24], [sflag:$0x2] =	stream.indirect.gather [hbm4b:s2+s8], $0x20, s23, s8, $0xb8;
	[tilespmem:$0x10800] =	vst v63  }
0x4c: {  	_ =	swait.ge [sflag:s25], $0x1000  }
0x4d: {  	[sflag:s25] =	ssyncset.done $0x0  }
0x4e: {  	[sflag:s25] =	ssyncadd.s32 $0xFFFFF000  }
0x4f: {  	_ =	swait.ge [sflag:s25], $0x1000  }
0x50: {  	[sflag:s25] =	ssyncset.done $0x0  }
0x51: {  	[sflag:s25] =	ssyncadd.s32 $0xFFFFF000  }
0x52: {  	_ =	swait.ge [sflag:s25], $0x1000  }
0x53: {  	[sflag:s25] =	ssyncset.done $0x0  }
0x54: {  	[sflag:s25] =	ssyncadd.s32 $0xFFFFF000  }
0x55: {  	_ =	swait.ge [sflag:s25], $0x1000  }
0x56: {  	[sflag:s25] =	ssyncset.done $0x0  }
0x57: {  	[sflag:s25] =	ssyncadd.s32 $0xFFFFF000  }
0x58: {  	_ =	swait.ge [sflag:s25], $0x1000  }
0x59: {  	[sflag:s25] =	ssyncset.done $0x0  }
0x5a: {  	[sflag:s25] =	ssyncadd.s32 $0xFFFFF000  }
0x5b: {  	_ =	swait.ge [sflag:s25], $0x1000  }
0x5c: {  	[sflag:s25] =	ssyncset.done $0x0  }
0x5d: {  	[sflag:s25] =	ssyncadd.s32 $0xFFFFF000  }
0x5e: {  	_ =	swait.ge [sflag:s25], $0x1000  }
0x5f: {  	[sflag:s25] =	ssyncset.done $0x0  }
0x60: {  	[sflag:s25] =	ssyncadd.s32 $0xFFFFF000  }
0x61: {  	_ =	swait.ge [sflag:s25], $0x1000  }
0x62: {  	[sflag:s25] =	ssyncset.done $0x0  }
0x63: {  	s0 =	rddreg [dreg:$0x14];
	[sflag:s25] =	ssyncadd.s32 $0xFFFFF000  }
0x64: {  	[hbm4b:s0+s3] =	stream.linear.scatter [tilespmem:s9], [sflag:$0x3], $0x8000, $0x38;
	[tilespmem:$0x10800] =	vst v63  }
0x65: {  	_ =	swait.ge [sflag:s26], $0x1000  }
0x66: {  	[sflag:s26] =	ssyncset.done $0x0  }
0x67: {  	[sflag:s26] =	ssyncadd.s32 $0xFFFFF000  }
0x68: {  	_ =	swait.ge [sflag:s26], $0x1000  }
0x69: {  	[sflag:s26] =	ssyncset.done $0x0  }
0x6a: {  	[sflag:s26] =	ssyncadd.s32 $0xFFFFF000  }
0x6b: {  	_ =	swait.ge [sflag:s26], $0x1000  }
0x6c: {  	[sflag:s26] =	ssyncset.done $0x0  }
0x6d: {  	[sflag:s26] =	ssyncadd.s32 $0xFFFFF000  }
0x6e: {  	_ =	swait.ge [sflag:s26], $0x1000  }
0x6f: {  	[sflag:s26] =	ssyncset.done $0x0  }
0x70: {  	[sflag:s26] =	ssyncadd.s32 $0xFFFFF000  }
0x71: {  	_ =	swait.ge [sflag:s26], $0x1000  }
0x72: {  	[sflag:s26] =	ssyncset.done $0x0  }
0x73: {  	[sflag:s26] =	ssyncadd.s32 $0xFFFFF000  }
0x74: {  	_ =	swait.ge [sflag:s26], $0x1000  }
0x75: {  	[sflag:s26] =	ssyncset.done $0x0  }
0x76: {  	[sflag:s26] =	ssyncadd.s32 $0xFFFFF000  }
0x77: {  	_ =	swait.ge [sflag:s26], $0x1000  }
0x78: {  	[sflag:s26] =	ssyncset.done $0x0  }
0x79: {  	[sflag:s26] =	ssyncadd.s32 $0xFFFFF000  }
0x7a: {  	_ =	swait.ge [sflag:s26], $0x1000  }
0x7b: {  	s30 =	simm.s32 $0x200;
	[sflag:s26] =	ssyncset.done $0x0;
	s6 =	rddreg [dreg:$0x15]  }
0x7c: {  	s31 =	sadd.s32 $0x4000, s0;
	[sflag:s26] =	ssyncadd.s32 $0xFFFFF000;
	s1 =	sadd.s32 $0x4000, s6  }
.LBB2_2:
0x7d: {  	[hbm4b:s6+s3] =	stream.linear.scatter [tilespmem:s11], [sflag:$0x3], $0x8000, $0x38;
	[tilespmem:$0x10800] =	vst v63  }
0x7e: {  	_ =	swait.ge [sflag:s28], $0x8000  }
0x7f: {  	[sflag:s28] =	ssyncset.done $0x0  }
0x80: {  	[sflag:s28] =	ssyncadd.s32 $0xFFFF8000  }
0x81: {  	_ =	swait.ge [sflag:s28], $0x8000  }
0x82: {  	s4 =	smov.u32 s30;
	s5 =	rddreg [dreg:$0x3];
	[sflag:s28] =	ssyncset.done $0x0  }
0x83: {  	[sflag:s28] =	ssyncadd.s32 $0xFFFF8000;
	s5 =	sadd.s32 s4, s5  }
0x84: {  	[tilespmem:s3], [sflag:$0x4] =	stream.linear.gather [hbm4b:s5+s3], $0x400, $0x38;
	[tilespmem:$0x10800] =	vst v63  }
0x85: {  	_ =	swait.ge [sflag:s7], $0x400  }
0x86: {  	s5 =	rddreg [dreg:$0x4]  }
0x87: {  	s0 =	rddreg [dreg:$0x11]  }
0x88: {  	s29 =	rddreg [dreg:$0xf]  }
0x89: {  	s12 =	rddreg [dreg:$0xd]  }
0x8a: {  	s13 =	rddreg [dreg:$0xb]  }
0x8b: {  	[sflag:s7] =	ssyncset.done $0x0;
	s14 =	rddreg [dreg:$0x6]  }
0x8c: {  	s15 =	rddreg [dreg:$0x5];
	[sflag:s7] =	ssyncadd.s32 $0xFFFFFC00  }
0x8d: {  	[tilespmem:s9], [sflag:$0x1] =	stream.indirect.gather [hbm4b:s2+s8], $0x20, s3, s8, $0xb8;
	[tilespmem:$0x10800] =	vst v63  }
0x8e: {  	s16 =	rddreg [dreg:$0x7]  }
0x8f: {  	[tilespmem:s15], [sflag:$0x1] =	stream.indirect.gather [hbm4b:s2+s8], $0x20, s8, s8, $0xb8;
	[tilespmem:$0x10800] =	vst v63  }
0x90: {  	s17 =	rddreg [dreg:$0x9]  }
0x91: {  	[tilespmem:s16], [sflag:$0x1] =	stream.indirect.gather [hbm4b:s2+s8], $0x20, s14, s8, $0xb8;
	[tilespmem:$0x10800] =	vst v63  }
0x92: {  	s15 =	rddreg [dreg:$0x8]  }
0x93: {  	[tilespmem:s17], [sflag:$0x1] =	stream.indirect.gather [hbm4b:s2+s8], $0x20, s15, s8, $0xb8;
	[tilespmem:$0x10800] =	vst v63  }
0x94: {  	s14 =	rddreg [dreg:$0xa]  }
0x95: {  	[tilespmem:s13], [sflag:$0x1] =	stream.indirect.gather [hbm4b:s2+s8], $0x20, s14, s8, $0xb8;
	[tilespmem:$0x10800] =	vst v63  }
0x96: {  	s17 =	rddreg [dreg:$0xc]  }
0x97: {  	[tilespmem:s12], [sflag:$0x1] =	stream.indirect.gather [hbm4b:s2+s8], $0x20, s17, s8, $0xb8;
	[tilespmem:$0x10800] =	vst v63  }
0x98: {  	s13 =	rddreg [dreg:$0xe]  }
0x99: {  	[tilespmem:s29], [sflag:$0x1] =	stream.indirect.gather [hbm4b:s2+s8], $0x20, s13, s8, $0xb8;
	[tilespmem:$0x10800] =	vst v63  }
0x9a: {  	s17 =	rddreg [dreg:$0x10]  }
0x9b: {  	[tilespmem:s0], [sflag:$0x1] =	stream.indirect.gather [hbm4b:s2+s8], $0x20, s17, s8, $0xb8;
	[tilespmem:$0x10800] =	vst v63  }
0x9c: {  	s4 =	sadd.s32 s4, s5  }
0x9d: {  	[tilespmem:s10], [sflag:$0x4] =	stream.linear.gather [hbm4b:s4+s3], $0x400, $0x38;
	[tilespmem:$0x10800] =	vst v63  }
0x9e: {  	_ =	swait.ge [sflag:s7], $0x400  }
0x9f: {  	[sflag:s7] =	ssyncset.done $0x0  }
0xa0: {  	[sflag:s7] =	ssyncadd.s32 $0xFFFFFC00  }
0xa1: {  	[tilespmem:s11], [sflag:$0x2] =	stream.indirect.gather [hbm4b:s2+s8], $0x20, s10, s8, $0xb8;
	[tilespmem:$0x10800] =	vst v63  }
0xa2: {  	s5 =	simm.s32 $0x9800;
	s29 =	rddreg [dreg:$0x12]  }
0xa3: {  	[tilespmem:s5], [sflag:$0x2] =	stream.indirect.gather [hbm4b:s2+s8], $0x20, s29, s8, $0xb8;
	[tilespmem:$0x10800] =	vst v63  }
0xa4: {  	s12 =	simm.s32 $0x500;
	s13 =	simm.s32 $0xA800  }
0xa5: {  	[tilespmem:s13], [sflag:$0x2] =	stream.indirect.gather [hbm4b:s2+s8], $0x20, s12, s8, $0xb8;
	[tilespmem:$0x10800] =	vst v63  }
0xa6: {  	s15 =	simm.s32 $0xB800;
	s14 =	simm.s32 $0x580  }
0xa7: {  	[tilespmem:s15], [sflag:$0x2] =	stream.indirect.gather [hbm4b:s2+s8], $0x20, s14, s8, $0xb8;
	[tilespmem:$0x10800] =	vst v63  }
0xa8: {  	s16 =	simm.s32 $0x600  }
0xa9: {  	[tilespmem:s18], [sflag:$0x2] =	stream.indirect.gather [hbm4b:s2+s8], $0x20, s16, s8, $0xb8;
	[tilespmem:$0x10800] =	vst v63  }
0xaa: {  	_ = 	snop  }
0xab: {  	[tilespmem:s20], [sflag:$0x2] =	stream.indirect.gather [hbm4b:s2+s8], $0x20, s19, s8, $0xb8;
	[tilespmem:$0x10800] =	vst v63  }
0xac: {  	_ = 	snop  }
0xad: {  	[tilespmem:s22], [sflag:$0x2] =	stream.indirect.gather [hbm4b:s2+s8], $0x20, s21, s8, $0xb8;
	[tilespmem:$0x10800] =	vst v63  }
0xae: {  	_ = 	snop  }
0xaf: {  	[tilespmem:s24], [sflag:$0x2] =	stream.indirect.gather [hbm4b:s2+s8], $0x20, s23, s8, $0xb8;
	[tilespmem:$0x10800] =	vst v63  }
0xb0: {  	_ =	swait.ge [sflag:s25], $0x1000  }
0xb1: {  	[sflag:s25] =	ssyncset.done $0x0  }
0xb2: {  	[sflag:s25] =	ssyncadd.s32 $0xFFFFF000  }
0xb3: {  	_ =	swait.ge [sflag:s25], $0x1000  }
0xb4: {  	[sflag:s25] =	ssyncset.done $0x0  }
0xb5: {  	[sflag:s25] =	ssyncadd.s32 $0xFFFFF000  }
0xb6: {  	_ =	swait.ge [sflag:s25], $0x1000  }
0xb7: {  	[sflag:s25] =	ssyncset.done $0x0  }
0xb8: {  	[sflag:s25] =	ssyncadd.s32 $0xFFFFF000  }
0xb9: {  	_ =	swait.ge [sflag:s25], $0x1000  }
0xba: {  	[sflag:s25] =	ssyncset.done $0x0  }
0xbb: {  	[sflag:s25] =	ssyncadd.s32 $0xFFFFF000  }
0xbc: {  	_ =	swait.ge [sflag:s25], $0x1000  }
0xbd: {  	[sflag:s25] =	ssyncset.done $0x0  }
0xbe: {  	[sflag:s25] =	ssyncadd.s32 $0xFFFFF000  }
0xbf: {  	_ =	swait.ge [sflag:s25], $0x1000  }
0xc0: {  	[sflag:s25] =	ssyncset.done $0x0  }
0xc1: {  	[sflag:s25] =	ssyncadd.s32 $0xFFFFF000  }
0xc2: {  	_ =	swait.ge [sflag:s25], $0x1000  }
0xc3: {  	[sflag:s25] =	ssyncset.done $0x0  }
0xc4: {  	[sflag:s25] =	ssyncadd.s32 $0xFFFFF000  }
0xc5: {  	_ =	swait.ge [sflag:s25], $0x1000  }
0xc6: {  	[sflag:s25] =	ssyncset.done $0x0  }
0xc7: {  	[sflag:s25] =	ssyncadd.s32 $0xFFFFF000  }
0xc8: {  	[hbm4b:s31+s3] =	stream.linear.scatter [tilespmem:s9], [sflag:$0x3], $0x8000, $0x38;
	[tilespmem:$0x10800] =	vst v63  }
0xc9: {  	_ =	swait.ge [sflag:s26], $0x1000  }
0xca: {  	[sflag:s26] =	ssyncset.done $0x0  }
0xcb: {  	[sflag:s26] =	ssyncadd.s32 $0xFFFFF000  }
0xcc: {  	_ =	swait.ge [sflag:s26], $0x1000  }
0xcd: {  	[sflag:s26] =	ssyncset.done $0x0  }
0xce: {  	[sflag:s26] =	ssyncadd.s32 $0xFFFFF000  }
0xcf: {  	_ =	swait.ge [sflag:s26], $0x1000  }
0xd0: {  	[sflag:s26] =	ssyncset.done $0x0  }
0xd1: {  	[sflag:s26] =	ssyncadd.s32 $0xFFFFF000  }
0xd2: {  	_ =	swait.ge [sflag:s26], $0x1000  }
0xd3: {  	[sflag:s26] =	ssyncset.done $0x0  }
0xd4: {  	[sflag:s26] =	ssyncadd.s32 $0xFFFFF000  }
0xd5: {  	_ =	swait.ge [sflag:s26], $0x1000  }
0xd6: {  	[sflag:s26] =	ssyncset.done $0x0  }
0xd7: {  	[sflag:s26] =	ssyncadd.s32 $0xFFFFF000  }
0xd8: {  	_ =	swait.ge [sflag:s26], $0x1000  }
0xd9: {  	[sflag:s26] =	ssyncset.done $0x0  }
0xda: {  	[sflag:s26] =	ssyncadd.s32 $0xFFFFF000  }
0xdb: {  	p0 =	sne.s32 s30, $0x3000;
	_ =	swait.ge [sflag:s26], $0x1000  }
.Ltmp0:
0xdc: {  	[sflag:s26] =	ssyncset.done $0x0;
	(pc) =	sbr.rel @p0 .LBB2_2-.Ltmp0, $4  }
0xdd: {  	[sflag:s26] =	ssyncadd.s32 $0xFFFFF000  }
0xde: {  	_ =	swait.ge [sflag:s26], $0x1000  }
0xdf: {  	s6 =	smov.u32 s1;
	s30 =	sadd.s32 $0x200, s30;
	[sflag:s26] =	ssyncset.done $0x0  }
0xe0: {  	s1 =	sadd.s32 $0x4000, s1;
	s31 =	sadd.s32 $0x4000, s31;
	[sflag:s26] =	ssyncadd.s32 $0xFFFFF000  }
0xe1: {  	[hbm4b:s6+s3] =	stream.linear.scatter [tilespmem:s11], [sflag:$0x3], $0x8000, $0x38;
	[tilespmem:$0x10800] =	vst v63  }
0xe2: {  	_ =	swait.ge [sflag:s28], $0x8000  }
0xe3: {  	[sflag:s28] =	ssyncset.done $0x0  }
0xe4: {  	[sflag:s28] =	ssyncadd.s32 $0xFFFF8000  }
0xe5: {  	_ =	swait.ge [sflag:s28], $0x8000  }
0xe6: {  	s1 =	rddreg [dreg:$0x16]  }
0xe7: {  	s0 =	rddreg [dreg:$0x13];
	s1 =	sadd.s32 $0x1, s1  }
0xe8: {  	p0 =	sne.s32 s1, s0  }
.Ltmp1:
0xe9: {  	_ = 	snop;
	(pc) =	sbr.rel @p0 .LBB2_1-.Ltmp1, $3  }
0xea: {  	_ =	sdelay $0x1  }
0xeb: {  	[sflag:s28] =	ssyncset.done $0x0  }
0xec: {  	[sflag:s28] =	ssyncadd.s32 $0xFFFF8000  }
0xed: {  	_ =	sfence.sel $0x180000  }
0xee: {  	[bflag:$0x0] =	sbarrier.arrive $0xFFFF  }
0xef: {  	_ =	strace $0x90000047  }
0xf0: {  	s0 =	stileid.u32;
	[bflag:$0x2] =	sbarrier.arrive $0xFFFF  }
0xf1: {  	p0 =	sne.s32 s0, $0x0;
	s0 =	rddreg [dreg:$0x2]  }
0xf2: {  	s0 =	sadd.s32 @!p0 $0x100000, s0  }
0xf3: {  	[sflag:s0] =	ssyncadd.tile.s32 @!p0 $0x1;
	_ =	shalt  }
.Lfunc_end2:
_tile_overlayer_lowered:
.L_overlay_start_2:
0xf4: {  	(tag) =	ssettag $0x2  }
0xf5: {  	s0 =	rddreg [dreg:$0x0];
	s2 =	stileid.u32  }
0xf6: {  	s1 =	rddreg [dreg:$0x1];
	p0 =	sne.s32 s2, $0x0  }
0xf7: {  	s3 =	rddreg [dreg:$0x2];
	[bflag:$0x3] =	sbarrier.arrive $0xFFFF;
	s2 =	simm.s32 @!p0 $0x1C04  }
0xf8: {  	[timem:s3], [sflag:s2] =	dma.local @!p0 [hbm:s0], s1  }
0xf9: {  	s0 =	simm.s32 @!p0 $0x4  }
0xfa: {  	_ =	swait.ge @!p0 [sflag:s0], s1  }
0xfb: {  	s1 =	ssub.s32 @!p0 $0x0, s1;
	[sflag:s0] =	ssyncset.done @!p0 $0x0  }
0xfc: {  	[sflag:s0] =	ssyncadd.s32 @!p0 s1  }
0xfd: {  	[bflag:$0x3] =	sbarrier.arrive $0xFFFF  }
0xfe: {  	_ =	shalt  }

</sc_bundles>
